<compile_context>
chip_gen: v7x
topology: tpu7x:2x2x1
jax: 0.10.2.dev20260603
libtpu: 0.0.44.dev20260713+nightly
codegen_flags: <defaults>
</compile_context>

<pallas_src>
import functools

import jax
import jax.numpy as jnp
from jax import lax
from jax.experimental import pallas as pl
from jax.experimental.pallas import tpu as pltpu
from jax.experimental.pallas import tpu_sc as plsc

_L = 200
_D = 64
_LANES = 16
_BLK = 128
_PER_W = 8
_NW_ACT = _L // _PER_W


def _sc_gather_body(x0_hbm, inlen_hbm, tableT_hbm, part_hbm, idx_v, inlen_v,
                    blk_v, acc_v, sem):
    cid = lax.axis_index("c")
    sid = lax.axis_index("s")
    wid = sid * 2 + cid

    @pl.when(wid < _NW_ACT)
    def _():
        base = pl.multiple_of(wid * _PER_W, 8)
        pltpu.sync_copy(x0_hbm.at[pl.ds(base, _LANES)], idx_v)
        pltpu.sync_copy(inlen_hbm.at[pl.ds(0, _LANES)], inlen_v)
        v = idx_v[...]
        n = inlen_v[...][0]
        lane = lax.iota(jnp.int32, _LANES)

        cps = []
        for j in range(_PER_W):
            rb = pl.multiple_of(
                lax.shift_left(lax.shift_right_logical(v[j], 7), 7), _BLK)
            cps.append(
                pltpu.async_copy(tableT_hbm.at[:, pl.ds(rb, _BLK)],
                                 blk_v.at[j], sem))
        for cp in cps:
            cp.wait()

        sels = []
        for j in range(_PER_W):
            p = lax.bitwise_and(v[j], _BLK - 1)
            pg = pl.multiple_of(
                lax.shift_left(lax.shift_right_logical(p, 4), 4), _LANES)
            onehot = lane == lax.bitwise_and(p, _LANES - 1)
            scale = jnp.where(base + j < n, 1.0, 0.0).astype(jnp.float32)
            sels.append((pg, onehot, scale))

        def red(c, carry):
            acc = jnp.zeros((_LANES,), jnp.float32)
            for j, (pg, onehot, scale) in enumerate(sels):
                acc += jnp.where(onehot, blk_v[j, c, pl.ds(pg, _LANES)],
                                 0.0) * scale
            acc_v[c, :] = acc
            return carry

        lax.fori_loop(0, _D, red, 0)

        pltpu.sync_copy(acc_v, part_hbm.at[wid])


def _tc_sum_body(part_vmem, out_vmem):
    out_vmem[0, 0, :] = jnp.sum(part_vmem[...], axis=(0, 2))


def kernel(x_in, in_len, table, requires_grad):
    del requires_grad
    x0 = jnp.pad(x_in[0].astype(jnp.int32), (0, 56))
    in_len = in_len.astype(jnp.int32)
    tableT = table.T
    mesh = plsc.VectorSubcoreMesh(core_axis_name="c", subcore_axis_name="s")
    gather = pl.kernel(
        _sc_gather_body,
        out_type=jax.ShapeDtypeStruct((_NW_ACT, _D, _LANES), jnp.float32),
        mesh=mesh,
        scratch_types=[
            pltpu.VMEM((_LANES,), jnp.int32),
            pltpu.VMEM((_LANES,), jnp.int32),
            pltpu.VMEM((_PER_W, _D, _BLK), jnp.float32),
            pltpu.VMEM((_D, _LANES), jnp.float32),
            pltpu.SemaphoreType.DMA,
        ],
    )
    parts = gather(x0, in_len, tableT)

    out = pl.pallas_call(
        _tc_sum_body,
        out_shape=jax.ShapeDtypeStruct((1, 1, _D), jnp.float32),
    )(parts)
    return out

# --- scband reference (transcript-rebuilt; emitter-appended) ---
"""Pipeline reference for scband-embedding-layer-37649683317114 (READ-ONLY COPY).

The authoritative reference and input builder live on the scoring server;
editing this copy changes nothing except your own understanding.
"""

import jax, jax.numpy as jnp
import numpy as np

B = 4096
L = 200
VOCAB = 1000000
D = 64


def setup_inputs(seed: int = 0) -> dict:
    key = jax.random.key(seed)
    k1, k2, k3 = jax.random.split(key, 3)
    x_in = jax.random.randint(k1, (B, L), 0, VOCAB)
    in_len = jax.random.randint(k2, (B,), 0, L)
    table = jax.random.normal(k3, (VOCAB, D), dtype=jnp.float32) * 0.02
    return {"x_in": x_in, "in_len": in_len, "table": table, "requires_grad": 1}


def reference(x_in, in_len, table, requires_grad):
    # batched path, composition_fn='non': per-row embedding lookup, then
    # padded_sum over the first in_len[j] positions; the original code
    # evaluates padded_sum for every row j then returns element [0].
    E = jnp.take(table, x_in, axis=0)  # [B, L, D] gather (emb_mod lookups)
    mask = (jnp.arange(L)[None, :] < in_len[:, None]).astype(E.dtype)  # [B, L]
    sums = jnp.sum(E * mask[:, :, None], axis=1)  # [B, D] == sum(data[:, :in_len[j], :], dim=1) per row
    # padded_sum returns torch.stack([...]) -> [1, 1, D]; list[0] selected
    return sums[0][None, None, :]

if __name__ == "__main__":
    import jax
    _d = setup_inputs()
    print(jax.jit(kernel)(*tuple(_d.values())))

</pallas_src>

<mosaic_0001>
#map = affine_map<(d0, d1) -> (0)>
#map1 = affine_map<(d0, d1) -> (0, 0)>
#map2 = affine_map<(d0, d1) -> (0, 0, 0)>
module attributes {stable_mosaic.version = 14 : i64} {
  func.func @_sc_gather_body(%arg0: i32, %arg1: i32, %arg2: memref<256xi32, #tpu.memory_space<hbm>>, %arg3: memref<4096xi32, #tpu.memory_space<hbm>>, %arg4: memref<64x1000000xf32, #tpu.memory_space<hbm>>, %arg5: memref<25x64x16xf32, #tpu.memory_space<hbm>>, %arg6: memref<16xi32, #tpu.memory_space<vmem>>, %arg7: memref<16xi32, #tpu.memory_space<vmem>>, %arg8: memref<8x64x128xf32, #tpu.memory_space<vmem>>, %arg9: memref<64x16xf32, #tpu.memory_space<vmem>>, %arg10: memref<!tpu.dma_semaphore, #tpu.memory_space<semaphore_mem>>) attributes {dimension_semantics = [#tpu.dimension_semantics<core_parallel>, #tpu.dimension_semantics<subcore_parallel>], iteration_bounds = array<i64: 2, 16>, scalar_prefetch = 0 : i64, scratch_operands = 5 : i64, tpu.core_type = #tpu.core_type<sc_vector_subcore>, window_params = [{transform_indices = #map}, {transform_indices = #map}, {transform_indices = #map1}, {transform_indices = #map2}]} {
    %mul3A = arith.constant 2 : i32
    %mul3A_0 = arith.muli %arg1, %mul3A : i32
    %add3A = arith.addi %mul3A_0, %arg0 : i32
    %lt3A = arith.constant 25 : i32
    %lt3A_1 = arith.cmpi slt, %add3A, %lt3A : i32
    %convert_element_type3A = arith.extui %lt3A_1 : i1 to i32
    %cond3A = arith.constant 0 : i32
    %cond3A_2 = arith.cmpi ne, %convert_element_type3A, %cond3A : i32
    scf.if %cond3A_2 {
      %mul3A_3 = arith.constant 8 : i32
      %mul3A_4 = arith.muli %add3A, %mul3A_3 : i32
      %multiple_of3A = tpu.assume_multiple %mul3A_4, 8 : i32
      "tpu.region"() ({
        %run_scoped3A = tpu.sem_alloc : memref<!tpu.dma_semaphore, #tpu.memory_space<semaphore_mem>>
        %dma_start3A_423 = tpu.memref_slice %arg2[%multiple_of3A] : memref<256xi32, #tpu.memory_space<hbm>> -> memref<16xi32, #tpu.memory_space<hbm>>
        %dma_start3A_424 = tpu.memref_slice %arg2[%multiple_of3A] : memref<256xi32, #tpu.memory_space<hbm>> -> memref<16xi32, #tpu.memory_space<hbm>>
        tpu.enqueue_dma source(%dma_start3A_424 : memref<16xi32, #tpu.memory_space<hbm>>) target(%arg6 : memref<16xi32, #tpu.memory_space<vmem>>) target_semaphore(%run_scoped3A : memref<!tpu.dma_semaphore, #tpu.memory_space<semaphore_mem>>)
        %dma_wait3A_425 = tpu.memref_slice %arg2[%multiple_of3A] : memref<256xi32, #tpu.memory_space<hbm>> -> memref<16xi32, #tpu.memory_space<hbm>>
        %dma_wait3A_426 = tpu.memref_slice %arg2[%multiple_of3A] : memref<256xi32, #tpu.memory_space<hbm>> -> memref<16xi32, #tpu.memory_space<hbm>>
        tpu.wait_dma2 semaphore(%run_scoped3A : memref<!tpu.dma_semaphore, #tpu.memory_space<semaphore_mem>>) src(%dma_wait3A_426 : memref<16xi32, #tpu.memory_space<hbm>>) dst(%arg6 : memref<16xi32, #tpu.memory_space<vmem>>)
        tpu.yield
      }) : () -> ()
      "tpu.region"() ({
        %run_scoped3A = tpu.sem_alloc : memref<!tpu.dma_semaphore, #tpu.memory_space<semaphore_mem>>
        %dma_start3A_423 = arith.constant 0 : i32
        %dma_start3A_424 = tpu.memref_slice %arg3[%dma_start3A_423] : memref<4096xi32, #tpu.memory_space<hbm>> -> memref<16xi32, #tpu.memory_space<hbm>>
        %dma_start3A_425 = arith.constant 0 : i32
        %dma_start3A_426 = tpu.memref_slice %arg3[%dma_start3A_425] : memref<4096xi32, #tpu.memory_space<hbm>> -> memref<16xi32, #tpu.memory_space<hbm>>
        tpu.enqueue_dma source(%dma_start3A_426 : memref<16xi32, #tpu.memory_space<hbm>>) target(%arg7 : memref<16xi32, #tpu.memory_space<vmem>>) target_semaphore(%run_scoped3A : memref<!tpu.dma_semaphore, #tpu.memory_space<semaphore_mem>>)
        %dma_wait3A_427 = arith.constant 0 : i32
        %dma_wait3A_428 = tpu.memref_slice %arg3[%dma_wait3A_427] : memref<4096xi32, #tpu.memory_space<hbm>> -> memref<16xi32, #tpu.memory_space<hbm>>
        %dma_wait3A_429 = arith.constant 0 : i32
        %dma_wait3A_430 = tpu.memref_slice %arg3[%dma_wait3A_429] : memref<4096xi32, #tpu.memory_space<hbm>> -> memref<16xi32, #tpu.memory_space<hbm>>
        tpu.wait_dma2 semaphore(%run_scoped3A : memref<!tpu.dma_semaphore, #tpu.memory_space<semaphore_mem>>) src(%dma_wait3A_430 : memref<16xi32, #tpu.memory_space<hbm>>) dst(%arg7 : memref<16xi32, #tpu.memory_space<vmem>>)
        tpu.yield
      }) : () -> ()
      %get3A = arith.constant 0 : index
      %get3A_5 = tpu.vector_load %arg6[%get3A] {strides = array<i32>} : memref<16xi32, #tpu.memory_space<vmem>>, vector<16xi32>,
      %get3A_6 = vector.shape_cast %get3A_5 : vector<16xi32> to vector<16xi32>
      %get3A_7 = arith.constant 0 : index
      %get3A_8 = tpu.vector_load %arg7[%get3A_7] {strides = array<i32>} : memref<16xi32, #tpu.memory_space<vmem>>, vector<16xi32>,
      %get3A_9 = vector.shape_cast %get3A_8 : vector<16xi32> to vector<16xi32>
      %slice3A = vector.extract_strided_slice %get3A_9 {offsets = [0], sizes = [1], strides = [1]} : vector<16xi32> to vector<1xi32>
      %squeeze3A = vector.extract %slice3A[0] : i32 from vector<1xi32>
      %iota3A = tpu.iota {dimensions = array<i32: 0>} : vector<16xi32>
      %slice3A_10 = vector.extract_strided_slice %get3A_6 {offsets = [0], sizes = [1], strides = [1]} : vector<16xi32> to vector<1xi32>
      %squeeze3A_11 = vector.extract %slice3A_10[0] : i32 from vector<1xi32>
      %shift_right_logical3A = arith.constant 7 : i32
      %shift_right_logical3A_12 = arith.shrui %squeeze3A_11, %shift_right_logical3A : i32
      %shift_left3A = arith.constant 7 : i32
      %shift_left3A_13 = arith.shli %shift_right_logical3A_12, %shift_left3A : i32
      %multiple_of3A_14 = tpu.assume_multiple %shift_left3A_13, 128 : i32
      %dma_start3A = arith.constant 0 : i32
      %dma_start3A_15 = arith.constant 0 : i32
      %dma_start3A_16 = arith.constant 0 : i32
      %dma_start3A_17 = tpu.memref_slice %arg8[%dma_start3A, %dma_start3A_15, %dma_start3A_16] : memref<8x64x128xf32, #tpu.memory_space<vmem>> -> memref<1x64x128xf32, #tpu.memory_space<vmem>>
      %dma_start3A_18 = tpu.memref_squeeze %dma_start3A_17 : memref<1x64x128xf32, #tpu.memory_space<vmem>> -> memref<64x128xf32, #tpu.memory_space<vmem>>
      %dma_start3A_19 = arith.constant 0 : i32
      %dma_start3A_20 = tpu.memref_slice %arg4[%dma_start3A_19, %multiple_of3A_14] : memref<64x1000000xf32, #tpu.memory_space<hbm>> -> memref<64x128xf32, #tpu.memory_space<hbm>>
      %dma_start3A_21 = arith.constant 0 : i32
      %dma_start3A_22 = arith.constant 0 : i32
      %dma_start3A_23 = tpu.memref_slice %arg8[%dma_start3A, %dma_start3A_21, %dma_start3A_22] : memref<8x64x128xf32, #tpu.memory_space<vmem>> -> memref<1x64x128xf32, #tpu.memory_space<vmem>>
      %dma_start3A_24 = tpu.memref_squeeze %dma_start3A_23 : memref<1x64x128xf32, #tpu.memory_space<vmem>> -> memref<64x128xf32, #tpu.memory_space<vmem>>
      %dma_start3A_25 = arith.constant 0 : i32
      %dma_start3A_26 = tpu.memref_slice %arg4[%dma_start3A_25, %multiple_of3A_14] : memref<64x1000000xf32, #tpu.memory_space<hbm>> -> memref<64x128xf32, #tpu.memory_space<hbm>>
      tpu.enqueue_dma source(%dma_start3A_26 : memref<64x128xf32, #tpu.memory_space<hbm>>) target(%dma_start3A_24 : memref<64x128xf32, #tpu.memory_space<vmem>>) target_semaphore(%arg10 : memref<!tpu.dma_semaphore, #tpu.memory_space<semaphore_mem>>)
      %slice3A_27 = vector.extract_strided_slice %get3A_6 {offsets = [1], sizes = [1], strides = [1]} : vector<16xi32> to vector<1xi32>
      %squeeze3A_28 = vector.extract %slice3A_27[0] : i32 from vector<1xi32>
      %shift_right_logical3A_29 = arith.constant 7 : i32
      %shift_right_logical3A_30 = arith.shrui %squeeze3A_28, %shift_right_logical3A_29 : i32
      %shift_left3A_31 = arith.constant 7 : i32
      %shift_left3A_32 = arith.shli %shift_right_logical3A_30, %shift_left3A_31 : i32
      %multiple_of3A_33 = tpu.assume_multiple %shift_left3A_32, 128 : i32
      %dma_start3A_34 = arith.constant 1 : i32
      %dma_start3A_35 = arith.constant 0 : i32
      %dma_start3A_36 = arith.constant 0 : i32
      %dma_start3A_37 = tpu.memref_slice %arg8[%dma_start3A_34, %dma_start3A_35, %dma_start3A_36] : memref<8x64x128xf32, #tpu.memory_space<vmem>> -> memref<1x64x128xf32, #tpu.memory_space<vmem>>
      %dma_start3A_38 = tpu.memref_squeeze %dma_start3A_37 : memref<1x64x128xf32, #tpu.memory_space<vmem>> -> memref<64x128xf32, #tpu.memory_space<vmem>>
      %dma_start3A_39 = arith.constant 0 : i32
      %dma_start3A_40 = tpu.memref_slice %arg4[%dma_start3A_39, %multiple_of3A_33] : memref<64x1000000xf32, #tpu.memory_space<hbm>> -> memref<64x128xf32, #tpu.memory_space<hbm>>
      %dma_start3A_41 = arith.constant 0 : i32
      %dma_start3A_42 = arith.constant 0 : i32
      %dma_start3A_43 = tpu.memref_slice %arg8[%dma_start3A_34, %dma_start3A_41, %dma_start3A_42] : memref<8x64x128xf32, #tpu.memory_space<vmem>> -> memref<1x64x128xf32, #tpu.memory_space<vmem>>
      %dma_start3A_44 = tpu.memref_squeeze %dma_start3A_43 : memref<1x64x128xf32, #tpu.memory_space<vmem>> -> memref<64x128xf32, #tpu.memory_space<vmem>>
      %dma_start3A_45 = arith.constant 0 : i32
      %dma_start3A_46 = tpu.memref_slice %arg4[%dma_start3A_45, %multiple_of3A_33] : memref<64x1000000xf32, #tpu.memory_space<hbm>> -> memref<64x128xf32, #tpu.memory_space<hbm>>
      tpu.enqueue_dma source(%dma_start3A_46 : memref<64x128xf32, #tpu.memory_space<hbm>>) target(%dma_start3A_44 : memref<64x128xf32, #tpu.memory_space<vmem>>) target_semaphore(%arg10 : memref<!tpu.dma_semaphore, #tpu.memory_space<semaphore_mem>>)
      %slice3A_47 = vector.extract_strided_slice %get3A_6 {offsets = [2], sizes = [1], strides = [1]} : vector<16xi32> to vector<1xi32>
      %squeeze3A_48 = vector.extract %slice3A_47[0] : i32 from vector<1xi32>
      %shift_right_logical3A_49 = arith.constant 7 : i32
      %shift_right_logical3A_50 = arith.shrui %squeeze3A_48, %shift_right_logical3A_49 : i32
      %shift_left3A_51 = arith.constant 7 : i32
      %shift_left3A_52 = arith.shli %shift_right_logical3A_50, %shift_left3A_51 : i32
      %multiple_of3A_53 = tpu.assume_multiple %shift_left3A_52, 128 : i32
      %dma_start3A_54 = arith.constant 2 : i32
      %dma_start3A_55 = arith.constant 0 : i32
      %dma_start3A_56 = arith.constant 0 : i32
      %dma_start3A_57 = tpu.memref_slice %arg8[%dma_start3A_54, %dma_start3A_55, %dma_start3A_56] : memref<8x64x128xf32, #tpu.memory_space<vmem>> -> memref<1x64x128xf32, #tpu.memory_space<vmem>>
      %dma_start3A_58 = tpu.memref_squeeze %dma_start3A_57 : memref<1x64x128xf32, #tpu.memory_space<vmem>> -> memref<64x128xf32, #tpu.memory_space<vmem>>
      %dma_start3A_59 = arith.constant 0 : i32
      %dma_start3A_60 = tpu.memref_slice %arg4[%dma_start3A_59, %multiple_of3A_53] : memref<64x1000000xf32, #tpu.memory_space<hbm>> -> memref<64x128xf32, #tpu.memory_space<hbm>>
      %dma_start3A_61 = arith.constant 0 : i32
      %dma_start3A_62 = arith.constant 0 : i32
      %dma_start3A_63 = tpu.memref_slice %arg8[%dma_start3A_54, %dma_start3A_61, %dma_start3A_62] : memref<8x64x128xf32, #tpu.memory_space<vmem>> -> memref<1x64x128xf32, #tpu.memory_space<vmem>>
      %dma_start3A_64 = tpu.memref_squeeze %dma_start3A_63 : memref<1x64x128xf32, #tpu.memory_space<vmem>> -> memref<64x128xf32, #tpu.memory_space<vmem>>
      %dma_start3A_65 = arith.constant 0 : i32
      %dma_start3A_66 = tpu.memref_slice %arg4[%dma_start3A_65, %multiple_of3A_53] : memref<64x1000000xf32, #tpu.memory_space<hbm>> -> memref<64x128xf32, #tpu.memory_space<hbm>>
      tpu.enqueue_dma source(%dma_start3A_66 : memref<64x128xf32, #tpu.memory_space<hbm>>) target(%dma_start3A_64 : memref<64x128xf32, #tpu.memory_space<vmem>>) target_semaphore(%arg10 : memref<!tpu.dma_semaphore, #tpu.memory_space<semaphore_mem>>)
      %slice3A_67 = vector.extract_strided_slice %get3A_6 {offsets = [3], sizes = [1], strides = [1]} : vector<16xi32> to vector<1xi32>
      %squeeze3A_68 = vector.extract %slice3A_67[0] : i32 from vector<1xi32>
      %shift_right_logical3A_69 = arith.constant 7 : i32
      %shift_right_logical3A_70 = arith.shrui %squeeze3A_68, %shift_right_logical3A_69 : i32
      %shift_left3A_71 = arith.constant 7 : i32
      %shift_left3A_72 = arith.shli %shift_right_logical3A_70, %shift_left3A_71 : i32
      %multiple_of3A_73 = tpu.assume_multiple %shift_left3A_72, 128 : i32
      %dma_start3A_74 = arith.constant 3 : i32
      %dma_start3A_75 = arith.constant 0 : i32
      %dma_start3A_76 = arith.constant 0 : i32
      %dma_start3A_77 = tpu.memref_slice %arg8[%dma_start3A_74, %dma_start3A_75, %dma_start3A_76] : memref<8x64x128xf32, #tpu.memory_space<vmem>> -> memref<1x64x128xf32, #tpu.memory_space<vmem>>
      %dma_start3A_78 = tpu.memref_squeeze %dma_start3A_77 : memref<1x64x128xf32, #tpu.memory_space<vmem>> -> memref<64x128xf32, #tpu.memory_space<vmem>>
      %dma_start3A_79 = arith.constant 0 : i32
      %dma_start3A_80 = tpu.memref_slice %arg4[%dma_start3A_79, %multiple_of3A_73] : memref<64x1000000xf32, #tpu.memory_space<hbm>> -> memref<64x128xf32, #tpu.memory_space<hbm>>
      %dma_start3A_81 = arith.constant 0 : i32
      %dma_start3A_82 = arith.constant 0 : i32
      %dma_start3A_83 = tpu.memref_slice %arg8[%dma_start3A_74, %dma_start3A_81, %dma_start3A_82] : memref<8x64x128xf32, #tpu.memory_space<vmem>> -> memref<1x64x128xf32, #tpu.memory_space<vmem>>
      %dma_start3A_84 = tpu.memref_squeeze %dma_start3A_83 : memref<1x64x128xf32, #tpu.memory_space<vmem>> -> memref<64x128xf32, #tpu.memory_space<vmem>>
      %dma_start3A_85 = arith.constant 0 : i32
      %dma_start3A_86 = tpu.memref_slice %arg4[%dma_start3A_85, %multiple_of3A_73] : memref<64x1000000xf32, #tpu.memory_space<hbm>> -> memref<64x128xf32, #tpu.memory_space<hbm>>
      tpu.enqueue_dma source(%dma_start3A_86 : memref<64x128xf32, #tpu.memory_space<hbm>>) target(%dma_start3A_84 : memref<64x128xf32, #tpu.memory_space<vmem>>) target_semaphore(%arg10 : memref<!tpu.dma_semaphore, #tpu.memory_space<semaphore_mem>>)
      %slice3A_87 = vector.extract_strided_slice %get3A_6 {offsets = [4], sizes = [1], strides = [1]} : vector<16xi32> to vector<1xi32>
      %squeeze3A_88 = vector.extract %slice3A_87[0] : i32 from vector<1xi32>
      %shift_right_logical3A_89 = arith.constant 7 : i32
      %shift_right_logical3A_90 = arith.shrui %squeeze3A_88, %shift_right_logical3A_89 : i32
      %shift_left3A_91 = arith.constant 7 : i32
      %shift_left3A_92 = arith.shli %shift_right_logical3A_90, %shift_left3A_91 : i32
      %multiple_of3A_93 = tpu.assume_multiple %shift_left3A_92, 128 : i32
      %dma_start3A_94 = arith.constant 4 : i32
      %dma_start3A_95 = arith.constant 0 : i32
      %dma_start3A_96 = arith.constant 0 : i32
      %dma_start3A_97 = tpu.memref_slice %arg8[%dma_start3A_94, %dma_start3A_95, %dma_start3A_96] : memref<8x64x128xf32, #tpu.memory_space<vmem>> -> memref<1x64x128xf32, #tpu.memory_space<vmem>>
      %dma_start3A_98 = tpu.memref_squeeze %dma_start3A_97 : memref<1x64x128xf32, #tpu.memory_space<vmem>> -> memref<64x128xf32, #tpu.memory_space<vmem>>
      %dma_start3A_99 = arith.constant 0 : i32
      %dma_start3A_100 = tpu.memref_slice %arg4[%dma_start3A_99, %multiple_of3A_93] : memref<64x1000000xf32, #tpu.memory_space<hbm>> -> memref<64x128xf32, #tpu.memory_space<hbm>>
      %dma_start3A_101 = arith.constant 0 : i32
      %dma_start3A_102 = arith.constant 0 : i32
      %dma_start3A_103 = tpu.memref_slice %arg8[%dma_start3A_94, %dma_start3A_101, %dma_start3A_102] : memref<8x64x128xf32, #tpu.memory_space<vmem>> -> memref<1x64x128xf32, #tpu.memory_space<vmem>>
      %dma_start3A_104 = tpu.memref_squeeze %dma_start3A_103 : memref<1x64x128xf32, #tpu.memory_space<vmem>> -> memref<64x128xf32, #tpu.memory_space<vmem>>
      %dma_start3A_105 = arith.constant 0 : i32
      %dma_start3A_106 = tpu.memref_slice %arg4[%dma_start3A_105, %multiple_of3A_93] : memref<64x1000000xf32, #tpu.memory_space<hbm>> -> memref<64x128xf32, #tpu.memory_space<hbm>>
      tpu.enqueue_dma source(%dma_start3A_106 : memref<64x128xf32, #tpu.memory_space<hbm>>) target(%dma_start3A_104 : memref<64x128xf32, #tpu.memory_space<vmem>>) target_semaphore(%arg10 : memref<!tpu.dma_semaphore, #tpu.memory_space<semaphore_mem>>)
      %slice3A_107 = vector.extract_strided_slice %get3A_6 {offsets = [5], sizes = [1], strides = [1]} : vector<16xi32> to vector<1xi32>
      %squeeze3A_108 = vector.extract %slice3A_107[0] : i32 from vector<1xi32>
      %shift_right_logical3A_109 = arith.constant 7 : i32
      %shift_right_logical3A_110 = arith.shrui %squeeze3A_108, %shift_right_logical3A_109 : i32
      %shift_left3A_111 = arith.constant 7 : i32
      %shift_left3A_112 = arith.shli %shift_right_logical3A_110, %shift_left3A_111 : i32
      %multiple_of3A_113 = tpu.assume_multiple %shift_left3A_112, 128 : i32
      %dma_start3A_114 = arith.constant 5 : i32
      %dma_start3A_115 = arith.constant 0 : i32
      %dma_start3A_116 = arith.constant 0 : i32
      %dma_start3A_117 = tpu.memref_slice %arg8[%dma_start3A_114, %dma_start3A_115, %dma_start3A_116] : memref<8x64x128xf32, #tpu.memory_space<vmem>> -> memref<1x64x128xf32, #tpu.memory_space<vmem>>
      %dma_start3A_118 = tpu.memref_squeeze %dma_start3A_117 : memref<1x64x128xf32, #tpu.memory_space<vmem>> -> memref<64x128xf32, #tpu.memory_space<vmem>>
      %dma_start3A_119 = arith.constant 0 : i32
      %dma_start3A_120 = tpu.memref_slice %arg4[%dma_start3A_119, %multiple_of3A_113] : memref<64x1000000xf32, #tpu.memory_space<hbm>> -> memref<64x128xf32, #tpu.memory_space<hbm>>
      %dma_start3A_121 = arith.constant 0 : i32
      %dma_start3A_122 = arith.constant 0 : i32
      %dma_start3A_123 = tpu.memref_slice %arg8[%dma_start3A_114, %dma_start3A_121, %dma_start3A_122] : memref<8x64x128xf32, #tpu.memory_space<vmem>> -> memref<1x64x128xf32, #tpu.memory_space<vmem>>
      %dma_start3A_124 = tpu.memref_squeeze %dma_start3A_123 : memref<1x64x128xf32, #tpu.memory_space<vmem>> -> memref<64x128xf32, #tpu.memory_space<vmem>>
      %dma_start3A_125 = arith.constant 0 : i32
      %dma_start3A_126 = tpu.memref_slice %arg4[%dma_start3A_125, %multiple_of3A_113] : memref<64x1000000xf32, #tpu.memory_space<hbm>> -> memref<64x128xf32, #tpu.memory_space<hbm>>
      tpu.enqueue_dma source(%dma_start3A_126 : memref<64x128xf32, #tpu.memory_space<hbm>>) target(%dma_start3A_124 : memref<64x128xf32, #tpu.memory_space<vmem>>) target_semaphore(%arg10 : memref<!tpu.dma_semaphore, #tpu.memory_space<semaphore_mem>>)
      %slice3A_127 = vector.extract_strided_slice %get3A_6 {offsets = [6], sizes = [1], strides = [1]} : vector<16xi32> to vector<1xi32>
      %squeeze3A_128 = vector.extract %slice3A_127[0] : i32 from vector<1xi32>
      %shift_right_logical3A_129 = arith.constant 7 : i32
      %shift_right_logical3A_130 = arith.shrui %squeeze3A_128, %shift_right_logical3A_129 : i32
      %shift_left3A_131 = arith.constant 7 : i32
      %shift_left3A_132 = arith.shli %shift_right_logical3A_130, %shift_left3A_131 : i32
      %multiple_of3A_133 = tpu.assume_multiple %shift_left3A_132, 128 : i32
      %dma_start3A_134 = arith.constant 6 : i32
      %dma_start3A_135 = arith.constant 0 : i32
      %dma_start3A_136 = arith.constant 0 : i32
      %dma_start3A_137 = tpu.memref_slice %arg8[%dma_start3A_134, %dma_start3A_135, %dma_start3A_136] : memref<8x64x128xf32, #tpu.memory_space<vmem>> -> memref<1x64x128xf32, #tpu.memory_space<vmem>>
      %dma_start3A_138 = tpu.memref_squeeze %dma_start3A_137 : memref<1x64x128xf32, #tpu.memory_space<vmem>> -> memref<64x128xf32, #tpu.memory_space<vmem>>
      %dma_start3A_139 = arith.constant 0 : i32
      %dma_start3A_140 = tpu.memref_slice %arg4[%dma_start3A_139, %multiple_of3A_133] : memref<64x1000000xf32, #tpu.memory_space<hbm>> -> memref<64x128xf32, #tpu.memory_space<hbm>>
      %dma_start3A_141 = arith.constant 0 : i32
      %dma_start3A_142 = arith.constant 0 : i32
      %dma_start3A_143 = tpu.memref_slice %arg8[%dma_start3A_134, %dma_start3A_141, %dma_start3A_142] : memref<8x64x128xf32, #tpu.memory_space<vmem>> -> memref<1x64x128xf32, #tpu.memory_space<vmem>>
      %dma_start3A_144 = tpu.memref_squeeze %dma_start3A_143 : memref<1x64x128xf32, #tpu.memory_space<vmem>> -> memref<64x128xf32, #tpu.memory_space<vmem>>
      %dma_start3A_145 = arith.constant 0 : i32
      %dma_start3A_146 = tpu.memref_slice %arg4[%dma_start3A_145, %multiple_of3A_133] : memref<64x1000000xf32, #tpu.memory_space<hbm>> -> memref<64x128xf32, #tpu.memory_space<hbm>>
      tpu.enqueue_dma source(%dma_start3A_146 : memref<64x128xf32, #tpu.memory_space<hbm>>) target(%dma_start3A_144 : memref<64x128xf32, #tpu.memory_space<vmem>>) target_semaphore(%arg10 : memref<!tpu.dma_semaphore, #tpu.memory_space<semaphore_mem>>)
      %slice3A_147 = vector.extract_strided_slice %get3A_6 {offsets = [7], sizes = [1], strides = [1]} : vector<16xi32> to vector<1xi32>
      %squeeze3A_148 = vector.extract %slice3A_147[0] : i32 from vector<1xi32>
      %shift_right_logical3A_149 = arith.constant 7 : i32
      %shift_right_logical3A_150 = arith.shrui %squeeze3A_148, %shift_right_logical3A_149 : i32
      %shift_left3A_151 = arith.constant 7 : i32
      %shift_left3A_152 = arith.shli %shift_right_logical3A_150, %shift_left3A_151 : i32
      %multiple_of3A_153 = tpu.assume_multiple %shift_left3A_152, 128 : i32
      %dma_start3A_154 = arith.constant 7 : i32
      %dma_start3A_155 = arith.constant 0 : i32
      %dma_start3A_156 = arith.constant 0 : i32
      %dma_start3A_157 = tpu.memref_slice %arg8[%dma_start3A_154, %dma_start3A_155, %dma_start3A_156] : memref<8x64x128xf32, #tpu.memory_space<vmem>> -> memref<1x64x128xf32, #tpu.memory_space<vmem>>
      %dma_start3A_158 = tpu.memref_squeeze %dma_start3A_157 : memref<1x64x128xf32, #tpu.memory_space<vmem>> -> memref<64x128xf32, #tpu.memory_space<vmem>>
      %dma_start3A_159 = arith.constant 0 : i32
      %dma_start3A_160 = tpu.memref_slice %arg4[%dma_start3A_159, %multiple_of3A_153] : memref<64x1000000xf32, #tpu.memory_space<hbm>> -> memref<64x128xf32, #tpu.memory_space<hbm>>
      %dma_start3A_161 = arith.constant 0 : i32
      %dma_start3A_162 = arith.constant 0 : i32
      %dma_start3A_163 = tpu.memref_slice %arg8[%dma_start3A_154, %dma_start3A_161, %dma_start3A_162] : memref<8x64x128xf32, #tpu.memory_space<vmem>> -> memref<1x64x128xf32, #tpu.memory_space<vmem>>
      %dma_start3A_164 = tpu.memref_squeeze %dma_start3A_163 : memref<1x64x128xf32, #tpu.memory_space<vmem>> -> memref<64x128xf32, #tpu.memory_space<vmem>>
      %dma_start3A_165 = arith.constant 0 : i32
      %dma_start3A_166 = tpu.memref_slice %arg4[%dma_start3A_165, %multiple_of3A_153] : memref<64x1000000xf32, #tpu.memory_space<hbm>> -> memref<64x128xf32, #tpu.memory_space<hbm>>
      tpu.enqueue_dma source(%dma_start3A_166 : memref<64x128xf32, #tpu.memory_space<hbm>>) target(%dma_start3A_164 : memref<64x128xf32, #tpu.memory_space<vmem>>) target_semaphore(%arg10 : memref<!tpu.dma_semaphore, #tpu.memory_space<semaphore_mem>>)
      %dma_wait3A = arith.constant 0 : i32
      %dma_wait3A_167 = arith.constant 0 : i32
      %dma_wait3A_168 = arith.constant 0 : i32
      %dma_wait3A_169 = tpu.memref_slice %arg8[%dma_wait3A, %dma_wait3A_167, %dma_wait3A_168] : memref<8x64x128xf32, #tpu.memory_space<vmem>> -> memref<1x64x128xf32, #tpu.memory_space<vmem>>
      %dma_wait3A_170 = tpu.memref_squeeze %dma_wait3A_169 : memref<1x64x128xf32, #tpu.memory_space<vmem>> -> memref<64x128xf32, #tpu.memory_space<vmem>>
      %dma_wait3A_171 = arith.constant 0 : i32
      %dma_wait3A_172 = tpu.memref_slice %arg4[%dma_wait3A_171, %multiple_of3A_14] : memref<64x1000000xf32, #tpu.memory_space<hbm>> -> memref<64x128xf32, #tpu.memory_space<hbm>>
      %dma_wait3A_173 = arith.constant 0 : i32
      %dma_wait3A_174 = arith.constant 0 : i32
      %dma_wait3A_175 = tpu.memref_slice %arg8[%dma_wait3A, %dma_wait3A_173, %dma_wait3A_174] : memref<8x64x128xf32, #tpu.memory_space<vmem>> -> memref<1x64x128xf32, #tpu.memory_space<vmem>>
      %dma_wait3A_176 = tpu.memref_squeeze %dma_wait3A_175 : memref<1x64x128xf32, #tpu.memory_space<vmem>> -> memref<64x128xf32, #tpu.memory_space<vmem>>
      %dma_wait3A_177 = arith.constant 0 : i32
      %dma_wait3A_178 = tpu.memref_slice %arg4[%dma_wait3A_177, %multiple_of3A_14] : memref<64x1000000xf32, #tpu.memory_space<hbm>> -> memref<64x128xf32, #tpu.memory_space<hbm>>
      tpu.wait_dma2 semaphore(%arg10 : memref<!tpu.dma_semaphore, #tpu.memory_space<semaphore_mem>>) src(%dma_wait3A_178 : memref<64x128xf32, #tpu.memory_space<hbm>>) dst(%dma_wait3A_176 : memref<64x128xf32, #tpu.memory_space<vmem>>)
      %dma_wait3A_179 = arith.constant 1 : i32
      %dma_wait3A_180 = arith.constant 0 : i32
      %dma_wait3A_181 = arith.constant 0 : i32
      %dma_wait3A_182 = tpu.memref_slice %arg8[%dma_wait3A_179, %dma_wait3A_180, %dma_wait3A_181] : memref<8x64x128xf32, #tpu.memory_space<vmem>> -> memref<1x64x128xf32, #tpu.memory_space<vmem>>
      %dma_wait3A_183 = tpu.memref_squeeze %dma_wait3A_182 : memref<1x64x128xf32, #tpu.memory_space<vmem>> -> memref<64x128xf32, #tpu.memory_space<vmem>>
      %dma_wait3A_184 = arith.constant 0 : i32
      %dma_wait3A_185 = tpu.memref_slice %arg4[%dma_wait3A_184, %multiple_of3A_33] : memref<64x1000000xf32, #tpu.memory_space<hbm>> -> memref<64x128xf32, #tpu.memory_space<hbm>>
      %dma_wait3A_186 = arith.constant 0 : i32
      %dma_wait3A_187 = arith.constant 0 : i32
      %dma_wait3A_188 = tpu.memref_slice %arg8[%dma_wait3A_179, %dma_wait3A_186, %dma_wait3A_187] : memref<8x64x128xf32, #tpu.memory_space<vmem>> -> memref<1x64x128xf32, #tpu.memory_space<vmem>>
      %dma_wait3A_189 = tpu.memref_squeeze %dma_wait3A_188 : memref<1x64x128xf32, #tpu.memory_space<vmem>> -> memref<64x128xf32, #tpu.memory_space<vmem>>
      %dma_wait3A_190 = arith.constant 0 : i32
      %dma_wait3A_191 = tpu.memref_slice %arg4[%dma_wait3A_190, %multiple_of3A_33] : memref<64x1000000xf32, #tpu.memory_space<hbm>> -> memref<64x128xf32, #tpu.memory_space<hbm>>
      tpu.wait_dma2 semaphore(%arg10 : memref<!tpu.dma_semaphore, #tpu.memory_space<semaphore_mem>>) src(%dma_wait3A_191 : memref<64x128xf32, #tpu.memory_space<hbm>>) dst(%dma_wait3A_189 : memref<64x128xf32, #tpu.memory_space<vmem>>)
      %dma_wait3A_192 = arith.constant 2 : i32
      %dma_wait3A_193 = arith.constant 0 : i32
      %dma_wait3A_194 = arith.constant 0 : i32
      %dma_wait3A_195 = tpu.memref_slice %arg8[%dma_wait3A_192, %dma_wait3A_193, %dma_wait3A_194] : memref<8x64x128xf32, #tpu.memory_space<vmem>> -> memref<1x64x128xf32, #tpu.memory_space<vmem>>
      %dma_wait3A_196 = tpu.memref_squeeze %dma_wait3A_195 : memref<1x64x128xf32, #tpu.memory_space<vmem>> -> memref<64x128xf32, #tpu.memory_space<vmem>>
      %dma_wait3A_197 = arith.constant 0 : i32
      %dma_wait3A_198 = tpu.memref_slice %arg4[%dma_wait3A_197, %multiple_of3A_53] : memref<64x1000000xf32, #tpu.memory_space<hbm>> -> memref<64x128xf32, #tpu.memory_space<hbm>>
      %dma_wait3A_199 = arith.constant 0 : i32
      %dma_wait3A_200 = arith.constant 0 : i32
      %dma_wait3A_201 = tpu.memref_slice %arg8[%dma_wait3A_192, %dma_wait3A_199, %dma_wait3A_200] : memref<8x64x128xf32, #tpu.memory_space<vmem>> -> memref<1x64x128xf32, #tpu.memory_space<vmem>>
      %dma_wait3A_202 = tpu.memref_squeeze %dma_wait3A_201 : memref<1x64x128xf32, #tpu.memory_space<vmem>> -> memref<64x128xf32, #tpu.memory_space<vmem>>
      %dma_wait3A_203 = arith.constant 0 : i32
      %dma_wait3A_204 = tpu.memref_slice %arg4[%dma_wait3A_203, %multiple_of3A_53] : memref<64x1000000xf32, #tpu.memory_space<hbm>> -> memref<64x128xf32, #tpu.memory_space<hbm>>
      tpu.wait_dma2 semaphore(%arg10 : memref<!tpu.dma_semaphore, #tpu.memory_space<semaphore_mem>>) src(%dma_wait3A_204 : memref<64x128xf32, #tpu.memory_space<hbm>>) dst(%dma_wait3A_202 : memref<64x128xf32, #tpu.memory_space<vmem>>)
      %dma_wait3A_205 = arith.constant 3 : i32
      %dma_wait3A_206 = arith.constant 0 : i32
      %dma_wait3A_207 = arith.constant 0 : i32
      %dma_wait3A_208 = tpu.memref_slice %arg8[%dma_wait3A_205, %dma_wait3A_206, %dma_wait3A_207] : memref<8x64x128xf32, #tpu.memory_space<vmem>> -> memref<1x64x128xf32, #tpu.memory_space<vmem>>
      %dma_wait3A_209 = tpu.memref_squeeze %dma_wait3A_208 : memref<1x64x128xf32, #tpu.memory_space<vmem>> -> memref<64x128xf32, #tpu.memory_space<vmem>>
      %dma_wait3A_210 = arith.constant 0 : i32
      %dma_wait3A_211 = tpu.memref_slice %arg4[%dma_wait3A_210, %multiple_of3A_73] : memref<64x1000000xf32, #tpu.memory_space<hbm>> -> memref<64x128xf32, #tpu.memory_space<hbm>>
      %dma_wait3A_212 = arith.constant 0 : i32
      %dma_wait3A_213 = arith.constant 0 : i32
      %dma_wait3A_214 = tpu.memref_slice %arg8[%dma_wait3A_205, %dma_wait3A_212, %dma_wait3A_213] : memref<8x64x128xf32, #tpu.memory_space<vmem>> -> memref<1x64x128xf32, #tpu.memory_space<vmem>>
      %dma_wait3A_215 = tpu.memref_squeeze %dma_wait3A_214 : memref<1x64x128xf32, #tpu.memory_space<vmem>> -> memref<64x128xf32, #tpu.memory_space<vmem>>
      %dma_wait3A_216 = arith.constant 0 : i32
      %dma_wait3A_217 = tpu.memref_slice %arg4[%dma_wait3A_216, %multiple_of3A_73] : memref<64x1000000xf32, #tpu.memory_space<hbm>> -> memref<64x128xf32, #tpu.memory_space<hbm>>
      tpu.wait_dma2 semaphore(%arg10 : memref<!tpu.dma_semaphore, #tpu.memory_space<semaphore_mem>>) src(%dma_wait3A_217 : memref<64x128xf32, #tpu.memory_space<hbm>>) dst(%dma_wait3A_215 : memref<64x128xf32, #tpu.memory_space<vmem>>)
      %dma_wait3A_218 = arith.constant 4 : i32
      %dma_wait3A_219 = arith.constant 0 : i32
      %dma_wait3A_220 = arith.constant 0 : i32
      %dma_wait3A_221 = tpu.memref_slice %arg8[%dma_wait3A_218, %dma_wait3A_219, %dma_wait3A_220] : memref<8x64x128xf32, #tpu.memory_space<vmem>> -> memref<1x64x128xf32, #tpu.memory_space<vmem>>
      %dma_wait3A_222 = tpu.memref_squeeze %dma_wait3A_221 : memref<1x64x128xf32, #tpu.memory_space<vmem>> -> memref<64x128xf32, #tpu.memory_space<vmem>>
      %dma_wait3A_223 = arith.constant 0 : i32
      %dma_wait3A_224 = tpu.memref_slice %arg4[%dma_wait3A_223, %multiple_of3A_93] : memref<64x1000000xf32, #tpu.memory_space<hbm>> -> memref<64x128xf32, #tpu.memory_space<hbm>>
      %dma_wait3A_225 = arith.constant 0 : i32
      %dma_wait3A_226 = arith.constant 0 : i32
      %dma_wait3A_227 = tpu.memref_slice %arg8[%dma_wait3A_218, %dma_wait3A_225, %dma_wait3A_226] : memref<8x64x128xf32, #tpu.memory_space<vmem>> -> memref<1x64x128xf32, #tpu.memory_space<vmem>>
      %dma_wait3A_228 = tpu.memref_squeeze %dma_wait3A_227 : memref<1x64x128xf32, #tpu.memory_space<vmem>> -> memref<64x128xf32, #tpu.memory_space<vmem>>
      %dma_wait3A_229 = arith.constant 0 : i32
      %dma_wait3A_230 = tpu.memref_slice %arg4[%dma_wait3A_229, %multiple_of3A_93] : memref<64x1000000xf32, #tpu.memory_space<hbm>> -> memref<64x128xf32, #tpu.memory_space<hbm>>
      tpu.wait_dma2 semaphore(%arg10 : memref<!tpu.dma_semaphore, #tpu.memory_space<semaphore_mem>>) src(%dma_wait3A_230 : memref<64x128xf32, #tpu.memory_space<hbm>>) dst(%dma_wait3A_228 : memref<64x128xf32, #tpu.memory_space<vmem>>)
      %dma_wait3A_231 = arith.constant 5 : i32
      %dma_wait3A_232 = arith.constant 0 : i32
      %dma_wait3A_233 = arith.constant 0 : i32
      %dma_wait3A_234 = tpu.memref_slice %arg8[%dma_wait3A_231, %dma_wait3A_232, %dma_wait3A_233] : memref<8x64x128xf32, #tpu.memory_space<vmem>> -> memref<1x64x128xf32, #tpu.memory_space<vmem>>
      %dma_wait3A_235 = tpu.memref_squeeze %dma_wait3A_234 : memref<1x64x128xf32, #tpu.memory_space<vmem>> -> memref<64x128xf32, #tpu.memory_space<vmem>>
      %dma_wait3A_236 = arith.constant 0 : i32
      %dma_wait3A_237 = tpu.memref_slice %arg4[%dma_wait3A_236, %multiple_of3A_113] : memref<64x1000000xf32, #tpu.memory_space<hbm>> -> memref<64x128xf32, #tpu.memory_space<hbm>>
      %dma_wait3A_238 = arith.constant 0 : i32
      %dma_wait3A_239 = arith.constant 0 : i32
      %dma_wait3A_240 = tpu.memref_slice %arg8[%dma_wait3A_231, %dma_wait3A_238, %dma_wait3A_239] : memref<8x64x128xf32, #tpu.memory_space<vmem>> -> memref<1x64x128xf32, #tpu.memory_space<vmem>>
      %dma_wait3A_241 = tpu.memref_squeeze %dma_wait3A_240 : memref<1x64x128xf32, #tpu.memory_space<vmem>> -> memref<64x128xf32, #tpu.memory_space<vmem>>
      %dma_wait3A_242 = arith.constant 0 : i32
      %dma_wait3A_243 = tpu.memref_slice %arg4[%dma_wait3A_242, %multiple_of3A_113] : memref<64x1000000xf32, #tpu.memory_space<hbm>> -> memref<64x128xf32, #tpu.memory_space<hbm>>
      tpu.wait_dma2 semaphore(%arg10 : memref<!tpu.dma_semaphore, #tpu.memory_space<semaphore_mem>>) src(%dma_wait3A_243 : memref<64x128xf32, #tpu.memory_space<hbm>>) dst(%dma_wait3A_241 : memref<64x128xf32, #tpu.memory_space<vmem>>)
      %dma_wait3A_244 = arith.constant 6 : i32
      %dma_wait3A_245 = arith.constant 0 : i32
      %dma_wait3A_246 = arith.constant 0 : i32
      %dma_wait3A_247 = tpu.memref_slice %arg8[%dma_wait3A_244, %dma_wait3A_245, %dma_wait3A_246] : memref<8x64x128xf32, #tpu.memory_space<vmem>> -> memref<1x64x128xf32, #tpu.memory_space<vmem>>
      %dma_wait3A_248 = tpu.memref_squeeze %dma_wait3A_247 : memref<1x64x128xf32, #tpu.memory_space<vmem>> -> memref<64x128xf32, #tpu.memory_space<vmem>>
      %dma_wait3A_249 = arith.constant 0 : i32
      %dma_wait3A_250 = tpu.memref_slice %arg4[%dma_wait3A_249, %multiple_of3A_133] : memref<64x1000000xf32, #tpu.memory_space<hbm>> -> memref<64x128xf32, #tpu.memory_space<hbm>>
      %dma_wait3A_251 = arith.constant 0 : i32
      %dma_wait3A_252 = arith.constant 0 : i32
      %dma_wait3A_253 = tpu.memref_slice %arg8[%dma_wait3A_244, %dma_wait3A_251, %dma_wait3A_252] : memref<8x64x128xf32, #tpu.memory_space<vmem>> -> memref<1x64x128xf32, #tpu.memory_space<vmem>>
      %dma_wait3A_254 = tpu.memref_squeeze %dma_wait3A_253 : memref<1x64x128xf32, #tpu.memory_space<vmem>> -> memref<64x128xf32, #tpu.memory_space<vmem>>
      %dma_wait3A_255 = arith.constant 0 : i32
      %dma_wait3A_256 = tpu.memref_slice %arg4[%dma_wait3A_255, %multiple_of3A_133] : memref<64x1000000xf32, #tpu.memory_space<hbm>> -> memref<64x128xf32, #tpu.memory_space<hbm>>
      tpu.wait_dma2 semaphore(%arg10 : memref<!tpu.dma_semaphore, #tpu.memory_space<semaphore_mem>>) src(%dma_wait3A_256 : memref<64x128xf32, #tpu.memory_space<hbm>>) dst(%dma_wait3A_254 : memref<64x128xf32, #tpu.memory_space<vmem>>)
      %dma_wait3A_257 = arith.constant 7 : i32
      %dma_wait3A_258 = arith.constant 0 : i32
      %dma_wait3A_259 = arith.constant 0 : i32
      %dma_wait3A_260 = tpu.memref_slice %arg8[%dma_wait3A_257, %dma_wait3A_258, %dma_wait3A_259] : memref<8x64x128xf32, #tpu.memory_space<vmem>> -> memref<1x64x128xf32, #tpu.memory_space<vmem>>
      %dma_wait3A_261 = tpu.memref_squeeze %dma_wait3A_260 : memref<1x64x128xf32, #tpu.memory_space<vmem>> -> memref<64x128xf32, #tpu.memory_space<vmem>>
      %dma_wait3A_262 = arith.constant 0 : i32
      %dma_wait3A_263 = tpu.memref_slice %arg4[%dma_wait3A_262, %multiple_of3A_153] : memref<64x1000000xf32, #tpu.memory_space<hbm>> -> memref<64x128xf32, #tpu.memory_space<hbm>>
      %dma_wait3A_264 = arith.constant 0 : i32
      %dma_wait3A_265 = arith.constant 0 : i32
      %dma_wait3A_266 = tpu.memref_slice %arg8[%dma_wait3A_257, %dma_wait3A_264, %dma_wait3A_265] : memref<8x64x128xf32, #tpu.memory_space<vmem>> -> memref<1x64x128xf32, #tpu.memory_space<vmem>>
      %dma_wait3A_267 = tpu.memref_squeeze %dma_wait3A_266 : memref<1x64x128xf32, #tpu.memory_space<vmem>> -> memref<64x128xf32, #tpu.memory_space<vmem>>
      %dma_wait3A_268 = arith.constant 0 : i32
      %dma_wait3A_269 = tpu.memref_slice %arg4[%dma_wait3A_268, %multiple_of3A_153] : memref<64x1000000xf32, #tpu.memory_space<hbm>> -> memref<64x128xf32, #tpu.memory_space<hbm>>
      tpu.wait_dma2 semaphore(%arg10 : memref<!tpu.dma_semaphore, #tpu.memory_space<semaphore_mem>>) src(%dma_wait3A_269 : memref<64x128xf32, #tpu.memory_space<hbm>>) dst(%dma_wait3A_267 : memref<64x128xf32, #tpu.memory_space<vmem>>)
      %slice3A_270 = vector.extract_strided_slice %get3A_6 {offsets = [0], sizes = [1], strides = [1]} : vector<16xi32> to vector<1xi32>
      %squeeze3A_271 = vector.extract %slice3A_270[0] : i32 from vector<1xi32>
      %and3A = arith.constant 127 : i32
      %and3A_272 = arith.andi %squeeze3A_271, %and3A : i32
      %shift_right_logical3A_273 = arith.constant 4 : i32
      %shift_right_logical3A_274 = arith.shrui %and3A_272, %shift_right_logical3A_273 : i32
      %shift_left3A_275 = arith.constant 4 : i32
      %shift_left3A_276 = arith.shli %shift_right_logical3A_274, %shift_left3A_275 : i32
      %multiple_of3A_277 = tpu.assume_multiple %shift_left3A_276, 16 : i32
      %and3A_278 = arith.constant 15 : i32
      %and3A_279 = arith.andi %and3A_272, %and3A_278 : i32
      %eq3A = vector.broadcast %and3A_279 : i32 to vector<16xi32>
      %eq3A_280 = arith.cmpi eq, %iota3A, %eq3A : vector<16xi32>
      %add3A_281 = arith.constant 0 : i32
      %add3A_282 = arith.addi %multiple_of3A, %add3A_281 : i32
      %lt3A_283 = arith.cmpi slt, %add3A_282, %squeeze3A : i32
      %jit3A = arith.constant 1.000000e+00 : f32
      %jit3A_284 = arith.constant 0.000000e+00 : f32
      %select_n3A = arith.select %lt3A_283, %jit3A, %jit3A_284 : f32
      %slice3A_285 = vector.extract_strided_slice %get3A_6 {offsets = [1], sizes = [1], strides = [1]} : vector<16xi32> to vector<1xi32>
      %squeeze3A_286 = vector.extract %slice3A_285[0] : i32 from vector<1xi32>
      %and3A_287 = arith.constant 127 : i32
      %and3A_288 = arith.andi %squeeze3A_286, %and3A_287 : i32
      %shift_right_logical3A_289 = arith.constant 4 : i32
      %shift_right_logical3A_290 = arith.shrui %and3A_288, %shift_right_logical3A_289 : i32
      %shift_left3A_291 = arith.constant 4 : i32
      %shift_left3A_292 = arith.shli %shift_right_logical3A_290, %shift_left3A_291 : i32
      %multiple_of3A_293 = tpu.assume_multiple %shift_left3A_292, 16 : i32
      %and3A_294 = arith.constant 15 : i32
      %and3A_295 = arith.andi %and3A_288, %and3A_294 : i32
      %eq3A_296 = vector.broadcast %and3A_295 : i32 to vector<16xi32>
      %eq3A_297 = arith.cmpi eq, %iota3A, %eq3A_296 : vector<16xi32>
      %add3A_298 = arith.constant 1 : i32
      %add3A_299 = arith.addi %multiple_of3A, %add3A_298 : i32
      %lt3A_300 = arith.cmpi slt, %add3A_299, %squeeze3A : i32
      %jit3A_301 = arith.constant 1.000000e+00 : f32
      %jit3A_302 = arith.constant 0.000000e+00 : f32
      %select_n3A_303 = arith.select %lt3A_300, %jit3A_301, %jit3A_302 : f32
      %slice3A_304 = vector.extract_strided_slice %get3A_6 {offsets = [2], sizes = [1], strides = [1]} : vector<16xi32> to vector<1xi32>
      %squeeze3A_305 = vector.extract %slice3A_304[0] : i32 from vector<1xi32>
      %and3A_306 = arith.constant 127 : i32
      %and3A_307 = arith.andi %squeeze3A_305, %and3A_306 : i32
      %shift_right_logical3A_308 = arith.constant 4 : i32
      %shift_right_logical3A_309 = arith.shrui %and3A_307, %shift_right_logical3A_308 : i32
      %shift_left3A_310 = arith.constant 4 : i32
      %shift_left3A_311 = arith.shli %shift_right_logical3A_309, %shift_left3A_310 : i32
      %multiple_of3A_312 = tpu.assume_multiple %shift_left3A_311, 16 : i32
      %and3A_313 = arith.constant 15 : i32
      %and3A_314 = arith.andi %and3A_307, %and3A_313 : i32
      %eq3A_315 = vector.broadcast %and3A_314 : i32 to vector<16xi32>
      %eq3A_316 = arith.cmpi eq, %iota3A, %eq3A_315 : vector<16xi32>
      %add3A_317 = arith.constant 2 : i32
      %add3A_318 = arith.addi %multiple_of3A, %add3A_317 : i32
      %lt3A_319 = arith.cmpi slt, %add3A_318, %squeeze3A : i32
      %jit3A_320 = arith.constant 1.000000e+00 : f32
      %jit3A_321 = arith.constant 0.000000e+00 : f32
      %select_n3A_322 = arith.select %lt3A_319, %jit3A_320, %jit3A_321 : f32
      %slice3A_323 = vector.extract_strided_slice %get3A_6 {offsets = [3], sizes = [1], strides = [1]} : vector<16xi32> to vector<1xi32>
      %squeeze3A_324 = vector.extract %slice3A_323[0] : i32 from vector<1xi32>
      %and3A_325 = arith.constant 127 : i32
      %and3A_326 = arith.andi %squeeze3A_324, %and3A_325 : i32
      %shift_right_logical3A_327 = arith.constant 4 : i32
      %shift_right_logical3A_328 = arith.shrui %and3A_326, %shift_right_logical3A_327 : i32
      %shift_left3A_329 = arith.constant 4 : i32
      %shift_left3A_330 = arith.shli %shift_right_logical3A_328, %shift_left3A_329 : i32
      %multiple_of3A_331 = tpu.assume_multiple %shift_left3A_330, 16 : i32
      %and3A_332 = arith.constant 15 : i32
      %and3A_333 = arith.andi %and3A_326, %and3A_332 : i32
      %eq3A_334 = vector.broadcast %and3A_333 : i32 to vector<16xi32>
      %eq3A_335 = arith.cmpi eq, %iota3A, %eq3A_334 : vector<16xi32>
      %add3A_336 = arith.constant 3 : i32
      %add3A_337 = arith.addi %multiple_of3A, %add3A_336 : i32
      %lt3A_338 = arith.cmpi slt, %add3A_337, %squeeze3A : i32
      %jit3A_339 = arith.constant 1.000000e+00 : f32
      %jit3A_340 = arith.constant 0.000000e+00 : f32
      %select_n3A_341 = arith.select %lt3A_338, %jit3A_339, %jit3A_340 : f32
      %slice3A_342 = vector.extract_strided_slice %get3A_6 {offsets = [4], sizes = [1], strides = [1]} : vector<16xi32> to vector<1xi32>
      %squeeze3A_343 = vector.extract %slice3A_342[0] : i32 from vector<1xi32>
      %and3A_344 = arith.constant 127 : i32
      %and3A_345 = arith.andi %squeeze3A_343, %and3A_344 : i32
      %shift_right_logical3A_346 = arith.constant 4 : i32
      %shift_right_logical3A_347 = arith.shrui %and3A_345, %shift_right_logical3A_346 : i32
      %shift_left3A_348 = arith.constant 4 : i32
      %shift_left3A_349 = arith.shli %shift_right_logical3A_347, %shift_left3A_348 : i32
      %multiple_of3A_350 = tpu.assume_multiple %shift_left3A_349, 16 : i32
      %and3A_351 = arith.constant 15 : i32
      %and3A_352 = arith.andi %and3A_345, %and3A_351 : i32
      %eq3A_353 = vector.broadcast %and3A_352 : i32 to vector<16xi32>
      %eq3A_354 = arith.cmpi eq, %iota3A, %eq3A_353 : vector<16xi32>
      %add3A_355 = arith.constant 4 : i32
      %add3A_356 = arith.addi %multiple_of3A, %add3A_355 : i32
      %lt3A_357 = arith.cmpi slt, %add3A_356, %squeeze3A : i32
      %jit3A_358 = arith.constant 1.000000e+00 : f32
      %jit3A_359 = arith.constant 0.000000e+00 : f32
      %select_n3A_360 = arith.select %lt3A_357, %jit3A_358, %jit3A_359 : f32
      %slice3A_361 = vector.extract_strided_slice %get3A_6 {offsets = [5], sizes = [1], strides = [1]} : vector<16xi32> to vector<1xi32>
      %squeeze3A_362 = vector.extract %slice3A_361[0] : i32 from vector<1xi32>
      %and3A_363 = arith.constant 127 : i32
      %and3A_364 = arith.andi %squeeze3A_362, %and3A_363 : i32
      %shift_right_logical3A_365 = arith.constant 4 : i32
      %shift_right_logical3A_366 = arith.shrui %and3A_364, %shift_right_logical3A_365 : i32
      %shift_left3A_367 = arith.constant 4 : i32
      %shift_left3A_368 = arith.shli %shift_right_logical3A_366, %shift_left3A_367 : i32
      %multiple_of3A_369 = tpu.assume_multiple %shift_left3A_368, 16 : i32
      %and3A_370 = arith.constant 15 : i32
      %and3A_371 = arith.andi %and3A_364, %and3A_370 : i32
      %eq3A_372 = vector.broadcast %and3A_371 : i32 to vector<16xi32>
      %eq3A_373 = arith.cmpi eq, %iota3A, %eq3A_372 : vector<16xi32>
      %add3A_374 = arith.constant 5 : i32
      %add3A_375 = arith.addi %multiple_of3A, %add3A_374 : i32
      %lt3A_376 = arith.cmpi slt, %add3A_375, %squeeze3A : i32
      %jit3A_377 = arith.constant 1.000000e+00 : f32
      %jit3A_378 = arith.constant 0.000000e+00 : f32
      %select_n3A_379 = arith.select %lt3A_376, %jit3A_377, %jit3A_378 : f32
      %slice3A_380 = vector.extract_strided_slice %get3A_6 {offsets = [6], sizes = [1], strides = [1]} : vector<16xi32> to vector<1xi32>
      %squeeze3A_381 = vector.extract %slice3A_380[0] : i32 from vector<1xi32>
      %and3A_382 = arith.constant 127 : i32
      %and3A_383 = arith.andi %squeeze3A_381, %and3A_382 : i32
      %shift_right_logical3A_384 = arith.constant 4 : i32
      %shift_right_logical3A_385 = arith.shrui %and3A_383, %shift_right_logical3A_384 : i32
      %shift_left3A_386 = arith.constant 4 : i32
      %shift_left3A_387 = arith.shli %shift_right_logical3A_385, %shift_left3A_386 : i32
      %multiple_of3A_388 = tpu.assume_multiple %shift_left3A_387, 16 : i32
      %and3A_389 = arith.constant 15 : i32
      %and3A_390 = arith.andi %and3A_383, %and3A_389 : i32
      %eq3A_391 = vector.broadcast %and3A_390 : i32 to vector<16xi32>
      %eq3A_392 = arith.cmpi eq, %iota3A, %eq3A_391 : vector<16xi32>
      %add3A_393 = arith.constant 6 : i32
      %add3A_394 = arith.addi %multiple_of3A, %add3A_393 : i32
      %lt3A_395 = arith.cmpi slt, %add3A_394, %squeeze3A : i32
      %jit3A_396 = arith.constant 1.000000e+00 : f32
      %jit3A_397 = arith.constant 0.000000e+00 : f32
      %select_n3A_398 = arith.select %lt3A_395, %jit3A_396, %jit3A_397 : f32
      %slice3A_399 = vector.extract_strided_slice %get3A_6 {offsets = [7], sizes = [1], strides = [1]} : vector<16xi32> to vector<1xi32>
      %squeeze3A_400 = vector.extract %slice3A_399[0] : i32 from vector<1xi32>
      %and3A_401 = arith.constant 127 : i32
      %and3A_402 = arith.andi %squeeze3A_400, %and3A_401 : i32
      %shift_right_logical3A_403 = arith.constant 4 : i32
      %shift_right_logical3A_404 = arith.shrui %and3A_402, %shift_right_logical3A_403 : i32
      %shift_left3A_405 = arith.constant 4 : i32
      %shift_left3A_406 = arith.shli %shift_right_logical3A_404, %shift_left3A_405 : i32
      %multiple_of3A_407 = tpu.assume_multiple %shift_left3A_406, 16 : i32
      %and3A_408 = arith.constant 15 : i32
      %and3A_409 = arith.andi %and3A_402, %and3A_408 : i32
      %eq3A_410 = vector.broadcast %and3A_409 : i32 to vector<16xi32>
      %eq3A_411 = arith.cmpi eq, %iota3A, %eq3A_410 : vector<16xi32>
      %add3A_412 = arith.constant 7 : i32
      %add3A_413 = arith.addi %multiple_of3A, %add3A_412 : i32
      %lt3A_414 = arith.cmpi slt, %add3A_413, %squeeze3A : i32
      %jit3A_415 = arith.constant 1.000000e+00 : f32
      %jit3A_416 = arith.constant 0.000000e+00 : f32
      %select_n3A_417 = arith.select %lt3A_414, %jit3A_415, %jit3A_416 : f32
      %scan3A = arith.constant 0 : i32
      %scan3A_418 = arith.constant 0 : i32
      %scan3A_419 = arith.constant 64 : i32
      %scan3A_420 = arith.addi %scan3A_418, %scan3A_419 : i32
      %scan3A_421 = arith.constant 1 : i32
      scf.for %scan3A_423 = %scan3A_418 to %scan3A_420 step %scan3A_421  : i32 {
        %broadcast_in_dim3A = arith.constant 0.000000e+00 : f32
        %broadcast_in_dim3A_424 = vector.broadcast %broadcast_in_dim3A : f32 to vector<16xf32>
        %get3A_425 = arith.constant 0 : i32
        %get3A_426 = arith.index_cast %get3A_425 : i32 to index
        %get3A_427 = arith.index_cast %scan3A_423 : i32 to index
        %get3A_428 = arith.index_cast %multiple_of3A_277 : i32 to index
        %get3A_429 = tpu.vector_load %arg8[%get3A_426, %get3A_427, %get3A_428] {strides = array<i32>} : memref<8x64x128xf32, #tpu.memory_space<vmem>>, vector<1x1x16xf32>,
        %get3A_430 = vector.shape_cast %get3A_429 : vector<1x1x16xf32> to vector<16xf32>
        %jit3A_431 = arith.constant 0.000000e+00 : f32
        %broadcast_in_dim3A_432 = vector.broadcast %jit3A_431 : f32 to vector<16xf32>
        %select_n3A_433 = arith.select %eq3A_280, %get3A_430, %broadcast_in_dim3A_432 : vector<16xi1>, vector<16xf32>
        %mul3A_434 = vector.broadcast %select_n3A : f32 to vector<16xf32>
        %mul3A_435 = arith.mulf %select_n3A_433, %mul3A_434 : vector<16xf32>
        %add3A_436 = arith.addf %broadcast_in_dim3A_424, %mul3A_435 : vector<16xf32>
        %get3A_437 = arith.constant 1 : i32
        %get3A_438 = arith.index_cast %get3A_437 : i32 to index
        %get3A_439 = arith.index_cast %scan3A_423 : i32 to index
        %get3A_440 = arith.index_cast %multiple_of3A_293 : i32 to index
        %get3A_441 = tpu.vector_load %arg8[%get3A_438, %get3A_439, %get3A_440] {strides = array<i32>} : memref<8x64x128xf32, #tpu.memory_space<vmem>>, vector<1x1x16xf32>,
        %get3A_442 = vector.shape_cast %get3A_441 : vector<1x1x16xf32> to vector<16xf32>
        %jit3A_443 = arith.constant 0.000000e+00 : f32
        %broadcast_in_dim3A_444 = vector.broadcast %jit3A_443 : f32 to vector<16xf32>
        %select_n3A_445 = arith.select %eq3A_297, %get3A_442, %broadcast_in_dim3A_444 : vector<16xi1>, vector<16xf32>
        %mul3A_446 = vector.broadcast %select_n3A_303 : f32 to vector<16xf32>
        %mul3A_447 = arith.mulf %select_n3A_445, %mul3A_446 : vector<16xf32>
        %add3A_448 = arith.addf %add3A_436, %mul3A_447 : vector<16xf32>
        %get3A_449 = arith.constant 2 : i32
        %get3A_450 = arith.index_cast %get3A_449 : i32 to index
        %get3A_451 = arith.index_cast %scan3A_423 : i32 to index
        %get3A_452 = arith.index_cast %multiple_of3A_312 : i32 to index
        %get3A_453 = tpu.vector_load %arg8[%get3A_450, %get3A_451, %get3A_452] {strides = array<i32>} : memref<8x64x128xf32, #tpu.memory_space<vmem>>, vector<1x1x16xf32>,
        %get3A_454 = vector.shape_cast %get3A_453 : vector<1x1x16xf32> to vector<16xf32>
        %jit3A_455 = arith.constant 0.000000e+00 : f32
        %broadcast_in_dim3A_456 = vector.broadcast %jit3A_455 : f32 to vector<16xf32>
        %select_n3A_457 = arith.select %eq3A_316, %get3A_454, %broadcast_in_dim3A_456 : vector<16xi1>, vector<16xf32>
        %mul3A_458 = vector.broadcast %select_n3A_322 : f32 to vector<16xf32>
        %mul3A_459 = arith.mulf %select_n3A_457, %mul3A_458 : vector<16xf32>
        %add3A_460 = arith.addf %add3A_448, %mul3A_459 : vector<16xf32>
        %get3A_461 = arith.constant 3 : i32
        %get3A_462 = arith.index_cast %get3A_461 : i32 to index
        %get3A_463 = arith.index_cast %scan3A_423 : i32 to index
        %get3A_464 = arith.index_cast %multiple_of3A_331 : i32 to index
        %get3A_465 = tpu.vector_load %arg8[%get3A_462, %get3A_463, %get3A_464] {strides = array<i32>} : memref<8x64x128xf32, #tpu.memory_space<vmem>>, vector<1x1x16xf32>,
        %get3A_466 = vector.shape_cast %get3A_465 : vector<1x1x16xf32> to vector<16xf32>
        %jit3A_467 = arith.constant 0.000000e+00 : f32
        %broadcast_in_dim3A_468 = vector.broadcast %jit3A_467 : f32 to vector<16xf32>
        %select_n3A_469 = arith.select %eq3A_335, %get3A_466, %broadcast_in_dim3A_468 : vector<16xi1>, vector<16xf32>
        %mul3A_470 = vector.broadcast %select_n3A_341 : f32 to vector<16xf32>
        %mul3A_471 = arith.mulf %select_n3A_469, %mul3A_470 : vector<16xf32>
        %add3A_472 = arith.addf %add3A_460, %mul3A_471 : vector<16xf32>
        %get3A_473 = arith.constant 4 : i32
        %get3A_474 = arith.index_cast %get3A_473 : i32 to index
        %get3A_475 = arith.index_cast %scan3A_423 : i32 to index
        %get3A_476 = arith.index_cast %multiple_of3A_350 : i32 to index
        %get3A_477 = tpu.vector_load %arg8[%get3A_474, %get3A_475, %get3A_476] {strides = array<i32>} : memref<8x64x128xf32, #tpu.memory_space<vmem>>, vector<1x1x16xf32>,
        %get3A_478 = vector.shape_cast %get3A_477 : vector<1x1x16xf32> to vector<16xf32>
        %jit3A_479 = arith.constant 0.000000e+00 : f32
        %broadcast_in_dim3A_480 = vector.broadcast %jit3A_479 : f32 to vector<16xf32>
        %select_n3A_481 = arith.select %eq3A_354, %get3A_478, %broadcast_in_dim3A_480 : vector<16xi1>, vector<16xf32>
        %mul3A_482 = vector.broadcast %select_n3A_360 : f32 to vector<16xf32>
        %mul3A_483 = arith.mulf %select_n3A_481, %mul3A_482 : vector<16xf32>
        %add3A_484 = arith.addf %add3A_472, %mul3A_483 : vector<16xf32>
        %get3A_485 = arith.constant 5 : i32
        %get3A_486 = arith.index_cast %get3A_485 : i32 to index
        %get3A_487 = arith.index_cast %scan3A_423 : i32 to index
        %get3A_488 = arith.index_cast %multiple_of3A_369 : i32 to index
        %get3A_489 = tpu.vector_load %arg8[%get3A_486, %get3A_487, %get3A_488] {strides = array<i32>} : memref<8x64x128xf32, #tpu.memory_space<vmem>>, vector<1x1x16xf32>,
        %get3A_490 = vector.shape_cast %get3A_489 : vector<1x1x16xf32> to vector<16xf32>
        %jit3A_491 = arith.constant 0.000000e+00 : f32
        %broadcast_in_dim3A_492 = vector.broadcast %jit3A_491 : f32 to vector<16xf32>
        %select_n3A_493 = arith.select %eq3A_373, %get3A_490, %broadcast_in_dim3A_492 : vector<16xi1>, vector<16xf32>
        %mul3A_494 = vector.broadcast %select_n3A_379 : f32 to vector<16xf32>
        %mul3A_495 = arith.mulf %select_n3A_493, %mul3A_494 : vector<16xf32>
        %add3A_496 = arith.addf %add3A_484, %mul3A_495 : vector<16xf32>
        %get3A_497 = arith.constant 6 : i32
        %get3A_498 = arith.index_cast %get3A_497 : i32 to index
        %get3A_499 = arith.index_cast %scan3A_423 : i32 to index
        %get3A_500 = arith.index_cast %multiple_of3A_388 : i32 to index
        %get3A_501 = tpu.vector_load %arg8[%get3A_498, %get3A_499, %get3A_500] {strides = array<i32>} : memref<8x64x128xf32, #tpu.memory_space<vmem>>, vector<1x1x16xf32>,
        %get3A_502 = vector.shape_cast %get3A_501 : vector<1x1x16xf32> to vector<16xf32>
        %jit3A_503 = arith.constant 0.000000e+00 : f32
        %broadcast_in_dim3A_504 = vector.broadcast %jit3A_503 : f32 to vector<16xf32>
        %select_n3A_505 = arith.select %eq3A_392, %get3A_502, %broadcast_in_dim3A_504 : vector<16xi1>, vector<16xf32>
        %mul3A_506 = vector.broadcast %select_n3A_398 : f32 to vector<16xf32>
        %mul3A_507 = arith.mulf %select_n3A_505, %mul3A_506 : vector<16xf32>
        %add3A_508 = arith.addf %add3A_496, %mul3A_507 : vector<16xf32>
        %get3A_509 = arith.constant 7 : i32
        %get3A_510 = arith.index_cast %get3A_509 : i32 to index
        %get3A_511 = arith.index_cast %scan3A_423 : i32 to index
        %get3A_512 = arith.index_cast %multiple_of3A_407 : i32 to index
        %get3A_513 = tpu.vector_load %arg8[%get3A_510, %get3A_511, %get3A_512] {strides = array<i32>} : memref<8x64x128xf32, #tpu.memory_space<vmem>>, vector<1x1x16xf32>,
        %get3A_514 = vector.shape_cast %get3A_513 : vector<1x1x16xf32> to vector<16xf32>
        %jit3A_515 = arith.constant 0.000000e+00 : f32
        %broadcast_in_dim3A_516 = vector.broadcast %jit3A_515 : f32 to vector<16xf32>
        %select_n3A_517 = arith.select %eq3A_411, %get3A_514, %broadcast_in_dim3A_516 : vector<16xi1>, vector<16xf32>
        %mul3A_518 = vector.broadcast %select_n3A_417 : f32 to vector<16xf32>
        %mul3A_519 = arith.mulf %select_n3A_517, %mul3A_518 : vector<16xf32>
        %add3A_520 = arith.addf %add3A_508, %mul3A_519 : vector<16xf32>
        %swap3A = arith.index_cast %scan3A_423 : i32 to index
        %swap3A_521 = arith.constant 0 : index
        %swap3A_522 = tpu.vector_load %arg9[%swap3A, %swap3A_521] {strides = array<i32>} : memref<64x16xf32, #tpu.memory_space<vmem>>, vector<1x16xf32>,
        %swap3A_523 = vector.shape_cast %swap3A_522 : vector<1x16xf32> to vector<16xf32>
        %swap3A_524 = vector.shape_cast %add3A_520 : vector<16xf32> to vector<1x16xf32>
        tpu.vector_store %arg9[%swap3A, %swap3A_521], %swap3A_524 {strides = array<i32>} : memref<64x16xf32, #tpu.memory_space<vmem>>, vector<1x16xf32>,
      }
      %scan3A_422 = arith.constant 64 : i32
      "tpu.region"() ({
        %run_scoped3A = tpu.sem_alloc : memref<!tpu.dma_semaphore, #tpu.memory_space<semaphore_mem>>
        %dma_start3A_423 = arith.constant 0 : i32
        %dma_start3A_424 = arith.constant 0 : i32
        %dma_start3A_425 = tpu.memref_slice %arg5[%add3A, %dma_start3A_423, %dma_start3A_424] : memref<25x64x16xf32, #tpu.memory_space<hbm>> -> memref<1x64x16xf32, #tpu.memory_space<hbm>>
        %dma_start3A_426 = tpu.memref_squeeze %dma_start3A_425 : memref<1x64x16xf32, #tpu.memory_space<hbm>> -> memref<64x16xf32, #tpu.memory_space<hbm>>
        %dma_start3A_427 = arith.constant 0 : i32
        %dma_start3A_428 = arith.constant 0 : i32
        %dma_start3A_429 = tpu.memref_slice %arg5[%add3A, %dma_start3A_427, %dma_start3A_428] : memref<25x64x16xf32, #tpu.memory_space<hbm>> -> memref<1x64x16xf32, #tpu.memory_space<hbm>>
        %dma_start3A_430 = tpu.memref_squeeze %dma_start3A_429 : memref<1x64x16xf32, #tpu.memory_space<hbm>> -> memref<64x16xf32, #tpu.memory_space<hbm>>
        tpu.enqueue_dma source(%arg9 : memref<64x16xf32, #tpu.memory_space<vmem>>) target(%dma_start3A_430 : memref<64x16xf32, #tpu.memory_space<hbm>>) target_semaphore(%run_scoped3A : memref<!tpu.dma_semaphore, #tpu.memory_space<semaphore_mem>>)
        %dma_wait3A_431 = arith.constant 0 : i32
        %dma_wait3A_432 = arith.constant 0 : i32
        %dma_wait3A_433 = tpu.memref_slice %arg5[%add3A, %dma_wait3A_431, %dma_wait3A_432] : memref<25x64x16xf32, #tpu.memory_space<hbm>> -> memref<1x64x16xf32, #tpu.memory_space<hbm>>
        %dma_wait3A_434 = tpu.memref_squeeze %dma_wait3A_433 : memref<1x64x16xf32, #tpu.memory_space<hbm>> -> memref<64x16xf32, #tpu.memory_space<hbm>>
        %dma_wait3A_435 = arith.constant 0 : i32
        %dma_wait3A_436 = arith.constant 0 : i32
        %dma_wait3A_437 = tpu.memref_slice %arg5[%add3A, %dma_wait3A_435, %dma_wait3A_436] : memref<25x64x16xf32, #tpu.memory_space<hbm>> -> memref<1x64x16xf32, #tpu.memory_space<hbm>>
        %dma_wait3A_438 = tpu.memref_squeeze %dma_wait3A_437 : memref<1x64x16xf32, #tpu.memory_space<hbm>> -> memref<64x16xf32, #tpu.memory_space<hbm>>
        tpu.wait_dma2 semaphore(%run_scoped3A : memref<!tpu.dma_semaphore, #tpu.memory_space<semaphore_mem>>) src(%arg9 : memref<64x16xf32, #tpu.memory_space<vmem>>) dst(%dma_wait3A_438 : memref<64x16xf32, #tpu.memory_space<hbm>>)
        tpu.yield
      }) : () -> ()
    } else {
    }
    return
  }
}

module attributes {stable_mosaic.version = 14 : i64} {
  func.func @_tc_sum_body(%arg0: memref<25x64x16xf32, #tpu.memory_space<vmem>>, %arg1: memref<1x1x64xf32, #tpu.memory_space<vmem>>) attributes {dimension_semantics = [], scalar_prefetch = 0 : i64, scratch_operands = 0 : i64, tpu.core_type = #tpu.core_type<tc>} {
    %get3A = arith.constant 0 : index
    %get3A_0 = arith.constant 0 : index
    %get3A_1 = arith.constant 0 : index
    %get3A_2 = vector.load %arg0[%get3A, %get3A_0, %get3A_1] : memref<25x64x16xf32, #tpu.memory_space<vmem>>, vector<25x64x16xf32>
    %reduce_sum3A = arith.constant dense<0.000000e+00> : vector<64xf32>
    %reduce_sum3A_3 = vector.multi_reduction <add>, %get3A_2, %reduce_sum3A [0, 2] : vector<25x64x16xf32> to vector<64xf32>
    %swap3A = arith.constant 0 : index
    %swap3A_4 = arith.constant 0 : index
    %swap3A_5 = arith.constant 0 : index
    %swap3A_6 = vector.load %arg1[%swap3A, %swap3A_4, %swap3A_5] : memref<1x1x64xf32, #tpu.memory_space<vmem>>, vector<1x1x64xf32>
    %swap3A_7 = vector.shape_cast %swap3A_6 : vector<1x1x64xf32> to vector<64xf32>
    %swap3A_8 = vector.shape_cast %reduce_sum3A_3 : vector<64xf32> to vector<1x1x64xf32>
    tpu.vector_store %arg1[%swap3A, %swap3A_4, %swap3A_5], %swap3A_8 {strides = array<i32>} : memref<1x1x64xf32, #tpu.memory_space<vmem>>, vector<1x1x64xf32>,
    return
  }
}

</mosaic_0001>

<sc_bundles>
// kernel: kernel.4.cloned.1.call-start
scs
__scs_entry_jumppad:
0x0: {  	(pc) =	sbr.rel $0x88, $3  }
0x1: {  	(tag) =	ssettag $0x0;
	lr =	simm.s32 $0x1  }
0x2: {  	[smem:$0x3F9E] =	sst lr;
	_ =	strace $0xD0000000  }
0x3: {  	_ = 	snop  }
0x4: {  	_ = 	snop  }
0x5: {  	_ = 	snop  }
0x6: {  	_ = 	snop  }
0x7: {  	_ = 	snop  }
__scs_overlays_trampoline_lowered:
0x8: {  	[smem:$0x3FAD] =	sst s0  }
0x9: {  	[smem:$0x3FAE] =	sst s1  }
0xa: {  	[smem:$0x3FAF] =	sst s2  }
0xb: {  	[smem:$0x3FB0] =	sst s3  }
0xc: {  	[smem:$0x3FB1] =	sst s4  }
0xd: {  	[smem:$0x3FB2] =	sst s5  }
0xe: {  	[smem:$0x3FB3] =	sst s6  }
0xf: {  	[smem:$0x3FB4] =	sst s7  }
0x10: {  	[smem:$0x3FB5] =	sst s8  }
0x11: {  	[smem:$0x3FB6] =	sst s9;
	s0 =	simm.s32 @!p0 $0x0  }
0x12: {  	s1 =	sld [smem:$0x3F9C];
	s0 =	simm.s32 @p0 $0x1  }
0x13: {  	[smem:$0x3FB7] =	sst s0;
	s0 =	simm.s32 @!p1 $0x0  }
0x14: {  	s2 =	sld [smem:$0x3F9B];
	s0 =	simm.s32 @p1 $0x1  }
0x15: {  	[smem:$0x3FB8] =	sst s0;
	s0 =	simm.s32 @!p2 $0x0  }
0x16: {  	s3 =	sld [smem:$0x3FDB];
	s0 =	simm.s32 @p2 $0x1  }
0x17: {  	s4 =	simm.s32 $0x1BF5;
	[smem:$0x3FBA] =	sst s0  }
0x18: {  	s0 =	sld [smem:$0x3F9D];
	_ =	swait.ge [sflag:s4], $0x0  }
0x19: {  	s7 =	sld [smem:$0x3F9E]  }
0x1a: {  	s8 =	sadd.s32 $0xFFFFE003, lr  }
0x1b: {  	s9 =	sadd.s32 $0xFFFFFEF7, lr;
	s5 =	simm.s32 $0xFFFFFFFF;
	p2 =	slt.u32 s8, $0xFFFFF086  }
0x1c: {  	p1 =	slt.u32 s9, $0xF7A;
	s5 =	simm.s32 @!p2 $0x0  }
0x1d: {  	s5 =	simm.s32 @p1 $0x1;
	p0 =	seq.s32 s7, s2  }
0x1e: {  	s7 =	smul.u32 @!p0 $0xF7A, s2;
	p2 =	seq.s32 @!p0 s5, $0x0  }
0x1f: {  	s9 =	smul.u32 $0xF7A, s1;
	s8 =	simm.s32 @!p0 $0x1BF5;
	p2 =	por !p2, p0  }
0x20: {  	[sflag:s8] =	ssyncset.s32 @!p0 $0xFFFFF086;
	s6 =	sadd.s32 @!p0 s3, s7;
	s7 =	simm.s32 @!p0 $0x108  }
0x21: {  	s3 =	sadd.s32 s3, s9;
	s6 =	sadd.s32 @!p0 $0x88, s6;
	s7 =	simm.s32 @p2 $0x1082  }
0x22: {  	[simem:s7], [sflag:s8] =	dma.local @!p0 [hbm:s6], $0xF7A  }
0x23: {  	s9 =	sor.u32 $0xD0000000, s2;
	s6 =	simm.s32 $0x108;
	_ =	swait.ge @!p0 [sflag:s8], $0x0  }
0x24: {  	s3 =	sadd.s32 $0x88, s3;
	s6 =	simm.s32 @!p1 $0x1082;
	[sflag:s4] =	ssyncset.s32 $0xFFFFF086  }
0x25: {  	[simem:s6], [sflag:s4] =	dma.local [hbm:s3], $0xF7A  }
0x26: {  	[smem:$0x3F9E] =	sst s1;
	(tag) =	ssettag s2;
	_ =	strace s9  }
0x27: {  	s1 =	sld [smem:$0x3FAE]  }
0x28: {  	s2 =	sld [smem:$0x3FAF]  }
0x29: {  	s4 =	sld [smem:$0x3FB1]  }
0x2a: {  	p0 =	seq.s32 s5, $0x0;
	s5 =	sld [smem:$0x3FB2]  }
0x2b: {  	s6 =	sld [smem:$0x3FB3]  }
0x2c: {  	s7 =	sld [smem:$0x3FB4]  }
0x2d: {  	s3 =	simm.s32 $0x108;
	s8 =	sld [smem:$0x3FB5]  }
0x2e: {  	s3 =	simm.s32 @!p0 $0x1082;
	s9 =	sld [smem:$0x3FB6]  }
0x2f: {  	lr =	sadd.s32 s0, s3;
	s0 =	sld [smem:$0x3FAD]  }
0x30: {  	s3 =	sld [smem:$0x3FB0]  }
0x31: {  	[smem:$0x3FB9] =	sst s10  }
0x32: {  	s10 =	sld [smem:$0x3FB7];
	_ =	sdelay $0x3  }
0x33: {  	p0 =	seq.s32 s10, $0x1;
	s10 =	sld [smem:$0x3FB9];
	_ =	sdelay $0x3  }
0x34: {  	[smem:$0x3FB9] =	sst s10  }
0x35: {  	s10 =	sld [smem:$0x3FB8];
	_ =	sdelay $0x3  }
0x36: {  	p1 =	seq.s32 s10, $0x1;
	s10 =	sld [smem:$0x3FB9];
	_ =	sdelay $0x3  }
0x37: {  	[smem:$0x3FB9] =	sst s10  }
0x38: {  	s10 =	sld [smem:$0x3FBA]  }
0x39: {  	_ = 	snop;
	(pc) =	sbr.ind lr, $3  }
0x3a: {  	_ = 	snop  }
0x3b: {  	_ = 	snop  }
0x3c: {  	p2 =	seq.s32 s10, $0x1;
	s10 =	sld [smem:$0x3FB9]  }
0x3d: {  	_ =	shalt  }
0x3e: {  	_ =	shalt  }
0x3f: {  	_ =	shalt  }
0x40: {  	_ =	shalt  }
0x41: {  	_ =	shalt  }
0x42: {  	_ =	shalt  }
0x43: {  	_ =	shalt  }
0x44: {  	_ =	shalt  }
0x45: {  	_ =	shalt  }
0x46: {  	_ =	shalt  }
0x47: {  	_ =	shalt  }
0x48: {  	_ =	shalt  }
0x49: {  	_ =	shalt  }
0x4a: {  	_ =	shalt  }
0x4b: {  	_ =	shalt  }
0x4c: {  	_ =	shalt  }
0x4d: {  	_ =	shalt  }
0x4e: {  	_ =	shalt  }
0x4f: {  	_ =	shalt  }
0x50: {  	_ =	shalt  }
0x51: {  	_ =	shalt  }
0x52: {  	_ =	shalt  }
0x53: {  	_ =	shalt  }
0x54: {  	_ =	shalt  }
0x55: {  	_ =	shalt  }
0x56: {  	_ =	shalt  }
0x57: {  	_ =	shalt  }
0x58: {  	_ =	shalt  }
0x59: {  	_ =	shalt  }
0x5a: {  	_ =	shalt  }
0x5b: {  	_ =	shalt  }
0x5c: {  	_ =	shalt  }
0x5d: {  	_ =	shalt  }
0x5e: {  	_ =	shalt  }
0x5f: {  	_ =	shalt  }
0x60: {  	_ =	shalt  }
0x61: {  	_ =	shalt  }
0x62: {  	_ =	shalt  }
0x63: {  	_ =	shalt  }
0x64: {  	_ =	shalt  }
0x65: {  	_ =	shalt  }
0x66: {  	_ =	shalt  }
0x67: {  	_ =	shalt  }
0x68: {  	_ =	shalt  }
0x69: {  	_ =	shalt  }
0x6a: {  	_ =	shalt  }
0x6b: {  	_ =	shalt  }
0x6c: {  	_ =	shalt  }
0x6d: {  	_ =	shalt  }
0x6e: {  	_ =	shalt  }
0x6f: {  	_ =	shalt  }
0x70: {  	_ =	shalt  }
0x71: {  	_ =	shalt  }
0x72: {  	_ =	shalt  }
0x73: {  	_ =	shalt  }
0x74: {  	_ =	shalt  }
0x75: {  	_ =	shalt  }
0x76: {  	_ =	shalt  }
0x77: {  	_ =	shalt  }
0x78: {  	_ =	shalt  }
0x79: {  	_ =	shalt  }
0x7a: {  	_ =	shalt  }
0x7b: {  	_ =	shalt  }
0x7c: {  	_ =	shalt  }
0x7d: {  	_ =	shalt  }
0x7e: {  	_ =	shalt  }
0x7f: {  	_ =	shalt  }
0x80: {  	_ =	shalt  }
0x81: {  	_ =	shalt  }
0x82: {  	_ =	shalt  }
0x83: {  	_ =	shalt  }
0x84: {  	_ =	shalt  }
0x85: {  	_ =	shalt  }
0x86: {  	_ =	shalt  }
0x87: {  	_ =	shalt  }
.Lfunc_end0:
.L_simem_size_0:
called_computation_lowered:
.L_overlay_start_0:
0x88: {  	s2 =	sld [smem:$0x3FD9]  }
0x89: {  	s3 =	sld [smem:$0x3FFE];
	_ =	sdelay $0x1  }
0x8a: {  	s1 =	srdreg.scid  }
0x8b: {  	s0 =	sand.u32 $0x1, s1  }
0x8c: {  	s17 =	sshll.u32 s0, $0xA;
	s2 =	sadd.s32 s3, s2  }
0x8d: {  	s2 =	sadd.s32 s2, s17  }
0x8e: {  	[smem:$0x3FC5] =	sst s2  }
0x8f: {  	_ = 	snop  }
0x90: {  	s2 =	sld [smem:$0x3FC8]  }
0x91: {  	s18 =	sld [smem:$0x3FC7];
	(tm) =	ssettm $0x1  }
0x92: {  	s4 =	sld [smem:$0x3FFB];
	_ =	sdelay $0x3  }
0x93: {  	_ =	strace s4  }
0x94: {  	s4 =	sld [smem:$0x3FFC];
	_ =	sdelay $0x3  }
0x95: {  	_ =	strace s4  }
0x96: {  	s4 =	sld [smem:$0x3FFD];
	_ =	sdelay $0x3  }
0x97: {  	_ =	strace s4  }
0x98: {  	_ =	strace $0x8FFFFFFF  }
0x99: {  	s19 =	sld [smem:$0x3FDB];
	_ =	sdelay $0x1  }
0x9a: {  	s5 =	simm.s32 $_scs_section_size  }
0x9b: {  	s6 =	simm.s32 $_size__tile_overlayer_lowered;
	s7 =	simm.s32 $_tile_overlayer_lowered  }
0x9c: {  	s22 =	simm.s32 $0x1BFF;
	s21 =	sshll.u32 s7, $0x1;
	s4 =	sadd.s32 s5, s19  }
0x9d: {  	s8 =	simm.s32 $0x0;
	s20 =	sshll.u32 s6, $0x1;
	s6 =	sadd.s32 s21, s4  }
0x9e: {  	[timem:s8], [sflag:s22] =	dma.local [hbm:s6], s20  }
0x9f: {  	_ =	swait.ge [sflag:s22], s20  }
0xa0: {  	s5 =	ssub.s32 $0x0, s20;
	[sflag:s22] =	ssyncset.done $0x0  }
0xa1: {  	[sflag:s22] =	ssyncadd.s32 s5;
	_ =	sdelay $0x1  }
0xa2: {  	s23 =	simm.s32 $0x1B8B  }
0xa3: {  	_ =	swait.ge [sflag:s23], $0x1  }
0xa4: {  	[sflag:s23] =	ssyncset.done $0x0  }
0xa5: {  	s25 =	simm.s32 $0x1B8E;
	s24 =	sld [smem:$0x3FFE];
	[sflag:s23] =	ssyncadd.s32 $0xFFFFFFFF  }
0xa6: {  	s26 =	simm.s32 $execute0_lowered;
	[smem:$0x3FD2] =	sst s25  }
0xa7: {  	s6 =	sshll.u32 s26, $0x1;
	_ =	strace $0x80000046;
	[dreg:$0x1] =	wrdreg $0xFFFFFFFF  }
0xa8: {  	s28 =	simm.s32 $_size_execute0_lowered;
	s4 =	sadd.s32 s4, s6;
	[dreg:$0x0] =	wrdreg $0x0  }
0xa9: {  	s6 =	sshll.u32 s28, $0x1;
	[dreg:$0x2] =	wrdreg s4  }
0xaa: {  	[dreg:$0x3] =	wrdreg s6  }
0xab: {  	[dreg:$0x4] =	wrdreg $0xC0  }
0xac: {  	_ =	task [dreg:s8], $0x5FFFF  }
0xad: {  	[dreg:$0x1] =	wrdreg $0xFFFFFFFF  }
0xae: {  	[dreg:$0x0] =	wrdreg $0x60  }
0xaf: {  	[dreg:$0x2] =	wrdreg s24  }
0xb0: {  	[dreg:$0x3] =	wrdreg s2  }
0xb1: {  	[dreg:$0x4] =	wrdreg s18  }
0xb2: {  	[dreg:$0x5] =	wrdreg $0x9  }
0xb3: {  	_ =	task.clear_ibuf [dreg:s8], $0x6FFFF;
	_ =	strace $0x90000046  }
0xb4: {  	s29 =	simm.s32 $0x9;
	_ =	strace $0x80000048  }
0xb5: {  	_ =	swait.ge [sflag:s29], $0x1  }
0xb6: {  	[sflag:s29] =	ssyncadd.s32 $0xFFFFFFFF  }
0xb7: {  	_ =	strace $0x90000048  }
0xb8: {  	_ =	sfence  }
0xb9: {  	s30 =	sld [smem:$0x0];
	_ =	sdelay $0x2  }
0xba: {  	s31 =	sshll.u32 s1, $0xD;
	s1 =	sshrl.u32 s1, $0x2  }
0xbb: {  	s3 =	sand.u32 $0x4000, s31;
	s1 =	sadd.s32 s1, s30  }
0xbc: {  	s0 =	sor.u32 s3, s0;
	s1 =	sshll.u32 s1, $0x11  }
0xbd: {  	s0 =	sor.u32 s1, s0  }
0xbe: {  	s0 =	sadd.s32 $0x8F2B, s0  }
0xbf: {  	[sflag:s0] =	ssyncadd.remote.s32 $0x1  }
0xc0: {  	_ =	sfence.sel $0xFFFF  }
0xc1: {  	[dreg:$0x0] =	wrdreg $0xFFFFFFFF;
	(pc) =	sbr.abs _section_cstart, $3  }
0xc2: {  	[dreg:$0x1] =	wrdreg $0xFFFFFFFF  }
0xc3: {  	_ =	task.clear_ibuf [dreg:s8], $0x2FFFF;
	_ =	strace $0x9FFFFFFF  }
0xc4: {  	(tm) =	ssettm $0x7FFFFFFF  }
0xc5: {  	_ =	shalt  }
tec
execute0_lowered:
.L_overlay_start_1:
0x0: {  	(tag) =	ssettag $0x1  }
0x1: {  	s0 =	srdreg.scid;
	s4 =	stileid.u32  }
0x2: {  	s2 =	sand.u32 $0x1, s0;
	s30 =	sshll.u32 s4, $0x1  }
0x3: {  	s0 =	sor.u32 s2, s30  }
0x4: {  	p0 =	sgt.u32 s0, $0x18  }
.Ltmp0:
0x5: {  	_ = 	snop;
	(pc) =	sbr.rel @p0 .LBB2_5-.Ltmp0, $4  }
0x6: {  	_ = 	snop  }
0x7: {  	s1 =	rddreg [dreg:$0x0];
	s31 =	simm.s32 $0x0  }
0x8: {  	[smem:$0x7FF] =	sst s31  }
0x9: {  	s3 =	rddreg [dreg:$0x2];
	_ =	strace $0x80000047  }
0xa: {  	s4 =	sshll.u32 s0, $0xA;
	s5 =	sshll.u32 s0, $0x3  }
0xb: {  	s14 =	sadd.s32 $0x200, s1;
	s2 =	ssub.s32 $0x2, s2;
	s30 =	sshllo.u32 s0, $0x3  }
0xc: {  	s16 =	simm.s32 $0x2;
	s18 =	simm.s32 $0x400;
	s19 =	simm.s32 $0x7A1400  }
0xd: {  	s29 =	simm.s32 $0x1;
	s22 =	sor.u32 $0x1, s5;
	[dreg:$0xa] =	wrdreg s30  }
0xe: {  	s31 =	simm.s32 $0x0;
	s23 =	sor.u32 $0x2, s5;
	[dreg:$0x4] =	wrdreg s22  }
0xf: {  	s21 =	sadd.s32 s4, s1;
	s24 =	sor.u32 $0x3, s5;
	[dreg:$0x5] =	wrdreg s23  }
0x10: {  	s25 =	sor.u32 $0x4, s5;
	s26 =	sor.u32 $0x5, s5;
	[dreg:$0x6] =	wrdreg s24  }
0x11: {  	s28 =	sshrl.u32 s2, $0x1;
	s6 =	sor.u32 $0x6, s5;
	[dreg:$0x7] =	wrdreg s25  }
0x12: {  	s14 =	sadd.s32 s14, s0;
	[dreg:$0x8] =	wrdreg s26;
	s2 =	ssub.s32 s2, s28  }
0x13: {  	v0 =	vlaneseq.u32;
	[dreg:$0x9] =	wrdreg s6;
	s13 =	sadd.s32 $0x400, s21;
	s15 =	smax.u32 s2, $0x1  }
.LBB2_2:
0x14: {  	s0 =	simm.s32 $0x0  }
0x15: {  	[tilespmem:s0], [sflag:$0x2] =	stream.linear.gather [hbm4b:s14+s0], $0x10, $0x38;
	[tilespmem:$0x12100] =	vst v63  }
0x16: {  	_ =	swait.ge [sflag:s16], $0x10  }
0x17: {  	[sflag:s16] =	ssyncset.done $0x0  }
0x18: {  	[sflag:s16] =	ssyncadd.s32 $0xFFFFFFF0  }
0x19: {  	s2 =	simm.s32 $0x80;
	s1 =	rddreg [dreg:$0x1]  }
0x1a: {  	[tilespmem:s2], [sflag:$0x2] =	stream.linear.gather [hbm4b:s1+s0], $0x10, $0x38;
	[tilespmem:$0x12100] =	vst v63  }
0x1b: {  	_ =	swait.ge [sflag:s16], $0x10  }
0x1c: {  	[sflag:s16] =	ssyncset.done $0x0  }
0x1d: {  	[sflag:s16] =	ssyncadd.s32 $0xFFFFFFF0  }
0x1e: {  	v1 =	vld [tilespmem:$0x80]  }
0x1f: {  	v2 =	vld [tilespmem:$0x0];
	_ =	sdelay $0x3  }
0x20: {  	(v2sf) =	vpush v1, $0x0  }
0x21: {  	(v2sf) =	vpush v2, $0x0  }
0x22: {  	(v2sf) =	vpush v2, $0x1;
	_ =	sdelay $0x4  }
0x23: {  	(v2sf) =	vpush v2, $0x2  }
0x24: {  	(v2sf) =	vpush v2, $0x3  }
0x25: {  	(v2sf) =	vpush v2, $0x4;
	_ =	sdelay $0x5  }
0x26: {  	s20 =	spop (v2sf);
	(v2sf) =	vpush v2, $0x5  }
0x27: {  	s0 =	spop (v2sf);
	(v2sf) =	vpush v2, $0x6  }
0x28: {  	s6 =	sand.u32 $0xFFFFF80, s0;
	s2 =	spop (v2sf)  }
0x29: {  	s7 =	simm.s32 $0x100;
	s1 =	sadd.s32 s3, s6;
	s8 =	sand.u32 $0xFFFFF80, s2  }
0x2a: {  	[tilespmem:s7], [sflag:$0x1] =	stream.strided.gather [hbm4b:s1+s18], $0x2000, s19, s18, $0x38;
	[tilespmem:$0x12100] =	vst v63  }
0x2b: {  	s4 =	simm.s32 $0x2100;
	s1 =	sadd.s32 s3, s8  }
0x2c: {  	(v2sf) =	vpush v2, $0x7;
	[tilespmem:s4], [sflag:$0x1] =	stream.strided.gather [hbm4b:s1+s18], $0x2000, s19, s18, $0x38;
	[tilespmem:$0x12100] =	vst v63  }
0x2d: {  	s4 =	spop (v2sf)  }
0x2e: {  	s6 =	simm.s32 $0x4100;
	s9 =	sand.u32 $0xFFFFF80, s4;
	s21 =	spop (v2sf)  }
0x2f: {  	s1 =	sadd.s32 s3, s9;
	s10 =	sand.u32 $0xFFFFF80, s21;
	s22 =	spop (v2sf)  }
0x30: {  	[tilespmem:s6], [sflag:$0x1] =	stream.strided.gather [hbm4b:s1+s18], $0x2000, s19, s18, $0x38;
	[tilespmem:$0x12100] =	vst v63  }
0x31: {  	s11 =	simm.s32 $0x6100;
	s1 =	sadd.s32 s3, s10;
	s12 =	sand.u32 $0xFFFFF80, s22  }
0x32: {  	[tilespmem:s11], [sflag:$0x1] =	stream.strided.gather [hbm4b:s1+s18], $0x2000, s19, s18, $0x38;
	[tilespmem:$0x12100] =	vst v63  }
0x33: {  	s17 =	simm.s32 $0x8100;
	s1 =	sadd.s32 s3, s12  }
0x34: {  	[tilespmem:s17], [sflag:$0x1] =	stream.strided.gather [hbm4b:s1+s18], $0x2000, s19, s18, $0x38;
	[tilespmem:$0x12100] =	vst v63  }
0x35: {  	s23 =	spop (v2sf)  }
0x36: {  	s17 =	sand.u32 $0xFFFFF80, s23;
	s1 =	spop (v2sf)  }
0x37: {  	s24 =	simm.s32 $0xA100;
	s17 =	sadd.s32 s3, s17;
	s25 =	sand.u32 $0xFFFFF80, s1  }
0x38: {  	[tilespmem:s24], [sflag:$0x1] =	stream.strided.gather [hbm4b:s17+s18], $0x2000, s19, s18, $0x38;
	[tilespmem:$0x12100] =	vst v63  }
0x39: {  	s26 =	simm.s32 $0xC100;
	s17 =	sadd.s32 s3, s25  }
0x3a: {  	[tilespmem:s26], [sflag:$0x1] =	stream.strided.gather [hbm4b:s17+s18], $0x2000, s19, s18, $0x38;
	[tilespmem:$0x12100] =	vst v63  }
0x3b: {  	s17 =	spop (v2sf)  }
0x3c: {  	s24 =	sand.u32 $0xFFFFF80, s17  }
0x3d: {  	s28 =	simm.s32 $0xE100;
	s24 =	sadd.s32 s3, s24  }
0x3e: {  	[tilespmem:s28], [sflag:$0x1] =	stream.strided.gather [hbm4b:s24+s18], $0x2000, s19, s18, $0x38;
	[tilespmem:$0x12100] =	vst v63  }
0x3f: {  	_ =	swait.ge [sflag:s29], $0x2000  }
0x40: {  	[sflag:s29] =	ssyncset.done $0x0  }
0x41: {  	[sflag:s29] =	ssyncadd.s32 $0xFFFFE000  }
0x42: {  	_ =	swait.ge [sflag:s29], $0x2000  }
0x43: {  	[sflag:s29] =	ssyncset.done $0x0  }
0x44: {  	[sflag:s29] =	ssyncadd.s32 $0xFFFFE000  }
0x45: {  	_ =	swait.ge [sflag:s29], $0x2000  }
0x46: {  	[sflag:s29] =	ssyncset.done $0x0  }
0x47: {  	[sflag:s29] =	ssyncadd.s32 $0xFFFFE000  }
0x48: {  	_ =	swait.ge [sflag:s29], $0x2000  }
0x49: {  	[sflag:s29] =	ssyncset.done $0x0  }
0x4a: {  	[sflag:s29] =	ssyncadd.s32 $0xFFFFE000  }
0x4b: {  	_ =	swait.ge [sflag:s29], $0x2000  }
0x4c: {  	p0 =	slt.s32 s5, s20;
	[sflag:s29] =	ssyncset.done $0x0  }
0x4d: {  	s6 =	simm.f32 $1.000000000e+00;
	s9 =	sand.u32 $0xF, s22;
	[sflag:s29] =	ssyncadd.s32 $0xFFFFE000  }
0x4e: {  	s25 =	sand.u32 $0xF, s0;
	s0 =	sand.u32 $0x70, s0;
	_ =	swait.ge [sflag:s29], $0x2000  }
0x4f: {  	v15 =	vmov s25;
	s25 =	sand.u32 $0xF, s23;
	s0 =	sor.u32 $0x100, s0;
	s30 =	rddreg [dreg:$0x4]  }
0x50: {  	s26 =	sand.u32 $0xF, s2;
	s2 =	sand.u32 $0x70, s2;
	s7 =	rddreg [dreg:$0x5]  }
0x51: {  	v16 =	vmov s26;
	s26 =	sand.u32 $0xF, s1;
	s2 =	sor.u32 $0x2100, s2;
	s8 =	rddreg [dreg:$0x6]  }
0x52: {  	s1 =	sand.u32 $0x70, s1;
	s24 =	simm.f32 $1.000000000e+00;
	s10 =	rddreg [dreg:$0x7]  }
0x53: {  	s1 =	sor.u32 $0xC100, s1;
	s24 =	simm.s32 @!p0 $0x0;
	s11 =	rddreg [dreg:$0x8]  }
0x54: {  	s28 =	simm.f32 $1.000000000e+00;
	v8 =	vmov s24;
	s24 =	sand.u32 $0x70, s21;
	s12 =	rddreg [dreg:$0x9]  }
0x55: {  	v19 =	vmov s9;
	v20 =	vmov s25;
	s25 =	sor.u32 $0x6100, s24;
	[sflag:s29] =	ssyncset.done $0x0;
	s9 =	rddreg [dreg:$0xa]  }
0x56: {  	[sflag:s29] =	ssyncadd.s32 $0xFFFFE000;
	p0 =	slt.s32 s30, s20;
	s30 =	simm.f32 $1.000000000e+00  }
0x57: {  	s28 =	simm.s32 @!p0 $0x0;
	p0 =	slt.s32 s7, s20;
	s7 =	sand.u32 $0xF, s4  }
0x58: {  	_ =	swait.ge [sflag:s29], $0x2000;
	s4 =	sand.u32 $0x70, s4;
	s30 =	simm.s32 @!p0 $0x0  }
0x59: {  	p0 =	slt.s32 s8, s20;
	s8 =	sand.u32 $0xF, s21;
	v17 =	vmov s7;
	s7 =	sand.u32 $0xF, s17  }
0x5a: {  	vm3 =	veq.s32 v19, v0;
	v9 =	vmov s0;
	s4 =	sor.u32 $0x4100, s4;
	[sflag:s29] =	ssyncset.done $0x0;
	s6 =	simm.s32 @!p0 $0x0  }
0x5b: {  	vm7 =	veq.s32 v15, v0;
	vm2 =	veq.s32 v20, v0;
	p0 =	slt.s32 s10, s20;
	s10 =	simm.f32 $1.000000000e+00;
	v18 =	vmov s8;
	s8 =	simm.f32 $1.000000000e+00  }
0x5c: {  	v21 =	vmov s26;
	v12 =	vmov s2;
	v5 =	vmov s30;
	[sflag:s29] =	ssyncadd.s32 $0xFFFFE000;
	s30 =	sand.u32 $0x70, s17;
	s10 =	simm.s32 @!p0 $0x0  }
0x5d: {  	vm6 =	veq.s32 v16, v0;
	vm1 =	veq.s32 v21, v0;
	v16 =	vmov s1;
	p0 =	slt.s32 s11, s20;
	s11 =	simm.f32 $1.000000000e+00;
	_ =	swait.ge [sflag:s29], $0x2000  }
0x5e: {  	v11 =	vmov s25;
	v7 =	vmov s28;
	v22 =	vmov s7;
	s11 =	simm.s32 @!p0 $0x0;
	p0 =	slt.s32 s12, s20;
	s12 =	simm.f32 $1.000000000e+00  }
0x5f: {  	v13 =	vmov s4;
	vm5 =	veq.s32 v17, v0;
	v6 =	vmov s6;
	s0 =	sor.u32 $0xE100, s30;
	[sflag:s29] =	ssyncset.done $0x0;
	s12 =	simm.s32 @!p0 $0x0  }
0x60: {  	vm0 =	veq.s32 v22, v0;
	vm4 =	veq.s32 v18, v0;
	v4 =	vmov s10;
	p0 =	slt.s32 s9, s20;
	s9 =	sand.u32 $0x70, s23;
	s23 =	sand.u32 $0x70, s22  }
0x61: {  	v15 =	vmov s0;
	v2 =	vmov s11;
	s8 =	simm.s32 @!p0 $0x0;
	v3 =	vmov s12;
	s26 =	sor.u32 $0xA100, s9;
	s28 =	sor.u32 $0x8100, s23  }
0x62: {  	s1 =	simm.s32 $0x200;
	s0 =	simm.s32 $0x0;
	[sflag:s29] =	ssyncadd.s32 $0xFFFFE000;
	v1 =	vmov s8;
	v14 =	vmov s28;
	v10 =	vmov s26  }
.LBB2_3:
0x63: {  	p0 =	sne.s32 s1, $0x7E00;
	v17 =	vld.idx.msk [tilespmem:v9+s0+$0x0 ss:$0x1], $0xffff;
	_ =	sdelay $0x1  }
0x64: {  	v18 =	vld.idx.msk [tilespmem:v12+s0+$0x0 ss:$0x1], $0xffff;
	_ =	sdelay $0x1  }
0x65: {  	v19 =	vld.idx.msk [tilespmem:v13+s0+$0x0 ss:$0x1], $0xffff;
	_ =	sdelay $0x1  }
0x66: {  	v17 =	vnsel vm7, $0x0, v17;
	v20 =	vld.idx.msk [tilespmem:v11+s0+$0x0 ss:$0x1], $0xffff  }
0x67: {  	v17 =	vmul.f32 v17, v8  }
0x68: {  	v18 =	vnsel vm6, $0x0, v18;
	v21 =	vld.idx.msk [tilespmem:v14+s0+$0x0 ss:$0x1], $0xffff  }
0x69: {  	v17 =	vadd.f32 $0.0e+00, v17;
	v18 =	vmul.f32 v18, v7  }
0x6a: {  	v19 =	vnsel vm5, $0x0, v19;
	v22 =	vld.idx.msk [tilespmem:v10+s0+$0x0 ss:$0x1], $0xffff  }
0x6b: {  	v17 =	vadd.f32 v18, v17;
	v18 =	vmul.f32 v19, v5  }
0x6c: {  	v19 =	vnsel vm4, $0x0, v20;
	v20 =	vld.idx.msk [tilespmem:v16+s0+$0x0 ss:$0x1], $0xffff  }
0x6d: {  	v17 =	vadd.f32 v18, v17;
	v18 =	vmul.f32 v19, v6  }
0x6e: {  	v19 =	vnsel vm3, $0x0, v21;
	v21 =	vld.idx.msk [tilespmem:v15+s0+$0x0 ss:$0x1], $0xffff  }
0x6f: {  	v17 =	vadd.f32 v18, v17;
	v18 =	vmul.f32 v19, v4  }
0x70: {  	v19 =	vnsel vm2, $0x0, v22  }
0x71: {  	v17 =	vadd.f32 v18, v17;
	v18 =	vmul.f32 v19, v2  }
0x72: {  	v19 =	vnsel vm1, $0x0, v20  }
0x73: {  	v17 =	vadd.f32 v18, v17;
	v18 =	vmul.f32 v19, v3  }
0x74: {  	v19 =	vnsel vm0, $0x0, v21  }
.Ltmp1:
0x75: {  	v17 =	vadd.f32 v18, v17;
	v18 =	vmul.f32 v19, v1;
	(pc) =	sbr.rel @p0 .LBB2_3-.Ltmp1, $3  }
0x76: {  	_ = 	snop  }
0x77: {  	v17 =	vadd.f32 v18, v17;
	_ =	sdelay $0x1  }
0x78: {  	[tilespmem:s0+$0x10100] =	vst v17;
	s0 =	sshra.s32 s1, $0x2;
	s1 =	sadd.s32 $0x200, s1  }
0x79: {  	_ =	sdelay $0x3  }
0x7a: {  	v9 =	vld.idx.msk [tilespmem:v9+s0+$0x0 ss:$0x1], $0xffff;
	_ =	sdelay $0x1  }
0x7b: {  	v12 =	vld.idx.msk [tilespmem:v12+s0+$0x0 ss:$0x1], $0xffff;
	_ =	sdelay $0x1  }
0x7c: {  	v13 =	vld.idx.msk [tilespmem:v13+s0+$0x0 ss:$0x1], $0xffff  }
0x7d: {  	v9 =	vnsel vm7, $0x0, v9  }
0x7e: {  	v11 =	vld.idx.msk [tilespmem:v11+s0+$0x0 ss:$0x1], $0xffff;
	v8 =	vmul.f32 v9, v8  }
0x7f: {  	v54 =	vnsel vm6, $0x0, v12  }
0x80: {  	v55 =	vld.idx.msk [tilespmem:v14+s0+$0x0 ss:$0x1], $0xffff;
	v7 =	vmul.f32 v54, v7;
	v8 =	vadd.f32 $0.0e+00, v8  }
0x81: {  	v56 =	vnsel vm5, $0x0, v13  }
0x82: {  	v10 =	vld.idx.msk [tilespmem:v10+s0+$0x0 ss:$0x1], $0xffff;
	v5 =	vmul.f32 v56, v5;
	v7 =	vadd.f32 v7, v8  }
0x83: {  	v57 =	vnsel vm4, $0x0, v11  }
0x84: {  	v58 =	vld.idx.msk [tilespmem:v16+s0+$0x0 ss:$0x1], $0xffff;
	v6 =	vmul.f32 v57, v6;
	v5 =	vadd.f32 v5, v7  }
0x85: {  	v59 =	vnsel vm3, $0x0, v55  }
0x86: {  	v60 =	vld.idx.msk [tilespmem:v15+s0+$0x0 ss:$0x1], $0xffff;
	v4 =	vmul.f32 v59, v4;
	v5 =	vadd.f32 v6, v5  }
0x87: {  	v61 =	vnsel vm2, $0x0, v10  }
0x88: {  	v2 =	vmul.f32 v61, v2;
	v4 =	vadd.f32 v4, v5  }
0x89: {  	v62 =	vnsel vm1, $0x0, v58  }
0x8a: {  	v3 =	vmul.f32 v62, v3;
	v2 =	vadd.f32 v2, v4  }
0x8b: {  	v63 =	vnsel vm0, $0x0, v60  }
0x8c: {  	v1 =	vmul.f32 v63, v1;
	v2 =	vadd.f32 v3, v2;
	_ =	sdelay $0x1  }
0x8d: {  	s31 =	sadd.s32 $0x1, s31;
	v1 =	vadd.f32 v1, v2  }
0x8e: {  	p0 =	sne.s32 s31, s15  }
.Ltmp2:
0x8f: {  	s30 =	simm.s32 $0x0;
	s1 =	simm.s32 $0x10100;
	[tilespmem:s0+$0x10100] =	vst v1;
	(pc) =	sbr.rel @p0 .LBB2_2-.Ltmp2, $4  }
0x90: {  	[hbm4b:s13+s30] =	stream.linear.scatter [tilespmem:s1], [sflag:$0x2], $0x2000, $0x38;
	[tilespmem:$0x12100] =	vst v63  }
0x91: {  	_ =	swait.ge [sflag:s16], $0x2000  }
0x92: {  	[sflag:s16] =	ssyncset.done $0x0  }
0x93: {  	[sflag:s16] =	ssyncadd.s32 $0xFFFFE000  }
.LBB2_5:
0x94: {  	_ =	sfence.sel $0x180000  }
0x95: {  	[bflag:$0x0] =	sbarrier.arrive $0xFFFF  }
0x96: {  	_ =	strace $0x90000047  }
0x97: {  	s0 =	stileid.u32;
	[bflag:$0x2] =	sbarrier.arrive $0xFFFF  }
0x98: {  	p0 =	sne.s32 s0, $0x0;
	s0 =	rddreg [dreg:$0x3]  }
0x99: {  	s0 =	sadd.s32 @!p0 $0x100000, s0  }
0x9a: {  	[sflag:s0] =	ssyncadd.tile.s32 @!p0 $0x1;
	_ =	shalt  }
.Lfunc_end2:
_tile_overlayer_lowered:
.L_overlay_start_2:
0x9b: {  	(tag) =	ssettag $0x2  }
0x9c: {  	s0 =	rddreg [dreg:$0x0];
	s2 =	stileid.u32  }
0x9d: {  	s1 =	rddreg [dreg:$0x1];
	p0 =	sne.s32 s2, $0x0  }
0x9e: {  	s3 =	rddreg [dreg:$0x2];
	[bflag:$0x3] =	sbarrier.arrive $0xFFFF;
	s2 =	simm.s32 @!p0 $0x1C02  }
0x9f: {  	[timem:s3], [sflag:s2] =	dma.local @!p0 [hbm:s0], s1  }
0xa0: {  	s0 =	simm.s32 @!p0 $0x2  }
0xa1: {  	_ =	swait.ge @!p0 [sflag:s0], s1  }
0xa2: {  	s1 =	ssub.s32 @!p0 $0x0, s1;
	[sflag:s0] =	ssyncset.done @!p0 $0x0  }
0xa3: {  	[sflag:s0] =	ssyncadd.s32 @!p0 s1  }
0xa4: {  	[bflag:$0x3] =	sbarrier.arrive $0xFFFF  }
0xa5: {  	_ =	shalt  }

</sc_bundles>
